<compile_context>
chip_gen: v7x
topology: tpu7x:2x2x1
jax: 0.10.2.dev20260603
libtpu: 0.0.44.dev20260713+nightly
codegen_flags: <defaults>
</compile_context>

<pallas_src>
import functools

import jax
import jax.numpy as jnp
from jax import lax
from jax.experimental import pallas as pl
from jax.experimental.pallas import tpu as pltpu
from jax.experimental.pallas import tpu_sc as plsc

N = 10000
E = 320000
D = 128
NUM_GRAPHS = 64
NC = 2
NS = 16
NW = NC * NS
NPW = 320
NPAD = NW * NPW
CH = 4000
NCH = E // CH
PROW = CH + 16
G = 64
SHIFT = 14
MASK = (1 << SHIFT) - 1

_mesh = lambda: plsc.VectorSubcoreMesh(
    core_axis_name="c", subcore_axis_name="s", num_cores=NC, num_subcores=NS)


def _wid():
    return lax.axis_index("s") * NC + lax.axis_index("c")


def _filter_body(ei, packed, counts, deg, sbuf, dbuf, stage, degl, cbuf):
    w = _wid()
    lo = w * NPW
    ones = jnp.ones((16,), jnp.float32)

    def zero_deg(i, _):
        degl[pl.ds(i * 16, 16)] = jnp.zeros((16,), jnp.float32)
        return 0
    lax.fori_loop(0, NPW // 16, zero_deg, 0)

    def chunk_body(k, _):
        pltpu.sync_copy(ei.at[pl.ds(k * CH, CH)], sbuf)
        pltpu.sync_copy(ei.at[pl.ds(E + k * CH, CH)], dbuf)

        def vreg_body(i, cur):
            sv = sbuf[pl.ds(i * 16, 16)]
            dv = dbuf[pl.ds(i * 16, 16)]
            dl = dv - lo
            m = (dv >= lo) & (dv < lo + NPW)
            pk = sv | (dl << SHIFT)
            mi = m.astype(jnp.int32)
            incl = plsc.cumsum(mi)
            pos = (incl - mi) + cur
            plsc.store_scatter(stage, [pos], pk, mask=m)
            idx = jnp.clip(dl, 0, NPW - 1)
            plsc.addupdate_scatter(degl, [idx], ones, mask=m)
            return cur + incl[15]

        cnt = lax.fori_loop(0, CH // 16, vreg_body, jnp.int32(0))
        pltpu.sync_copy(stage, packed.at[pl.ds((w * NCH + k) * PROW, PROW)])
        cbuf[pl.ds(k * 16, 16)] = jnp.full((16,), cnt, jnp.int32)
        return 0

    lax.fori_loop(0, NCH, chunk_body, 0)
    pltpu.sync_copy(cbuf, counts.at[pl.ds(w * NCH * 16, NCH * 16)])
    pltpu.sync_copy(degl, deg.at[pl.ds(lo, NPW)])


def _sc_filter(ei):
    f = pl.kernel(
        _filter_body,
        out_type=[
            jax.ShapeDtypeStruct((NW * NCH * PROW,), jnp.int32),
            jax.ShapeDtypeStruct((NW * NCH * 16,), jnp.int32),
            jax.ShapeDtypeStruct((NPAD,), jnp.float32),
        ],
        mesh=_mesh(),
        scratch_types=[
            pltpu.VMEM((CH,), jnp.int32),
            pltpu.VMEM((CH,), jnp.int32),
            pltpu.VMEM((PROW,), jnp.int32),
            pltpu.VMEM((NPW,), jnp.float32),
            pltpu.VMEM((NCH * 16,), jnp.int32),
        ],
        compiler_params=pltpu.CompilerParams(needs_layout_passes=False),
    )
    return f(ei)


def _mm_body(x_ref, w_ref, deg_ref, g_ref, dis_ref):
    deg = deg_ref[0, 0, :]
    dis = lax.rsqrt(deg + 1.0)
    dis_ref[0, 0, :] = dis
    g_ref[...] = jnp.dot(x_ref[...], w_ref[...],
                         preferred_element_type=jnp.float32) * dis[:, None]


def _tc_matmul(x_pad, W1, deg3):
    bl = NPAD // 8
    return pl.pallas_call(
        _mm_body,
        grid=(8,),
        in_specs=[
            pl.BlockSpec((bl, D), lambda i: (i, 0)),
            pl.BlockSpec((D, D), lambda i: (0, 0)),
            pl.BlockSpec((1, 1, bl), lambda i: (i, 0, 0)),
        ],
        out_specs=[
            pl.BlockSpec((bl, D), lambda i: (i, 0)),
            pl.BlockSpec((1, 1, bl), lambda i: (i, 0, 0)),
        ],
        out_shape=[
            jax.ShapeDtypeStruct((NPAD, D), jnp.float32),
            jax.ShapeDtypeStruct((8, 1, bl), jnp.float32),
        ],
    )(x_pad, W1, deg3)


def _agg_body(packed, counts, g, dis, b1, act,
              wbuf, sbuf, dbufl, rows, cbuf, disb, b1b, acc, sem):
    w = _wid()
    lo = w * NPW

    def zero_acc(r, _):
        for c in range(8):
            acc[r, pl.ds(c * 16, 16)] = jnp.zeros((16,), jnp.float32)
        return 0
    lax.fori_loop(0, NPW, zero_acc, 0)

    pltpu.sync_copy(counts.at[pl.ds(w * NCH * 16, NCH * 16)], cbuf)
    pltpu.sync_copy(dis.at[pl.ds(lo, NPW)], disb.at[pl.ds(0, NPW)])
    pltpu.sync_copy(b1, b1b)

    def chunk_body(k, _):
        cnt = cbuf[pl.ds(k * 16, 16)][0]
        pltpu.sync_copy(packed.at[pl.ds((w * NCH + k) * PROW, PROW)], wbuf)

        def unpack_body(i, _):
            p = wbuf[pl.ds(i * 16, 16)]
            s = jnp.clip(p & MASK, 0, NPAD - 1)
            d = jnp.clip(lax.shift_right_logical(p, SHIFT), 0, NPW - 1)
            sbuf[pl.ds(i * 16, 16)] = s
            dbufl[pl.ds(i * 16, 16)] = d
            return 0
        lax.fori_loop(0, (cnt + 15) // 16, unpack_body, 0)

        def gather_body(q, _):
            pltpu.async_copy(g.at[sbuf.at[pl.ds(q * G, G)]], rows, sem).wait()
            rem = jnp.minimum(G, cnt - q * G)

            def edge_body(j, _):
                d = dbufl[pl.ds(q * G + j, 16)][0]
                for c in range(8):
                    sl = pl.ds(c * 16, 16)
                    plsc.addupdate(acc.at[d, sl], rows[j, sl])
                return 0
            lax.fori_loop(0, rem, edge_body, 0)
            return 0
        lax.fori_loop(0, (cnt + G - 1) // G, gather_body, 0)
        return 0

    lax.fori_loop(0, NCH, chunk_body, 0)

    def fin_outer(t, _):
        pltpu.sync_copy(g.at[pl.ds(lo + t * G, G)], rows)

        def fin_body(r, _):
            node = t * G + r
            dsc = disb[pl.ds(node, 16)][0]
            for c in range(8):
                sl = pl.ds(c * 16, 16)
                v = (acc[node, sl] + rows[r, sl]) * dsc + b1b[sl]
                acc[node, sl] = jnp.maximum(v, 0.0) + 0.2 * jnp.minimum(v, 0.0)
            return 0
        lax.fori_loop(0, G, fin_body, 0)
        return 0
    lax.fori_loop(0, NPW // G, fin_outer, 0)

    pltpu.sync_copy(acc, act.at[pl.ds(lo, NPW)])


def _sc_aggregate(packed, counts, g, dis, b1):
    f = pl.kernel(
        _agg_body,
        out_type=[jax.ShapeDtypeStruct((NPAD, D), jnp.float32)],
        mesh=_mesh(),
        scratch_types=[
            pltpu.VMEM((PROW,), jnp.int32),
            pltpu.VMEM((CH + G,), jnp.int32),
            pltpu.VMEM((CH + G + 16,), jnp.int32),
            pltpu.VMEM((G, D), jnp.float32),
            pltpu.VMEM((NCH * 16,), jnp.int32),
            pltpu.VMEM((NPW + 16,), jnp.float32),
            pltpu.VMEM((D,), jnp.float32),
            pltpu.VMEM((NPW, D), jnp.float32),
            pltpu.SemaphoreType.DMA,
        ],
        compiler_params=pltpu.CompilerParams(needs_layout_passes=False),
    )
    return f(packed, counts, g, dis, b1)[0]


def _head_body(a_ref, b_ref, cl_ref, emb_ref, wc1_ref, bc1_ref, wc2_ref,
               bc2_ref, out_ref, psum, cnt):
    i = pl.program_id(0)
    bl = a_ref.shape[0]

    @pl.when(i == 0)
    def _():
        psum[...] = jnp.zeros_like(psum)
        cnt[...] = jnp.zeros_like(cnt)

    bv = b_ref[0, 0, :]
    rows = lax.broadcasted_iota(jnp.int32, (NUM_GRAPHS, bl), 0)
    oh = (rows == bv[None, :]).astype(jnp.float32)
    psum[...] += jnp.dot(oh, a_ref[...], preferred_element_type=jnp.float32)
    cnt[...] += jnp.broadcast_to(jnp.sum(oh, axis=1)[:, None], cnt.shape)

    @pl.when(i == pl.num_programs(0) - 1)
    def _():
        pooled = psum[...] / jnp.maximum(cnt[...], 1.0)
        cl = cl_ref[0, 0, :]
        crows = lax.broadcasted_iota(jnp.int32, (NUM_GRAPHS, 16), 1)
        ohc = (crows == cl[:, None]).astype(jnp.float32)
        ce = jnp.dot(ohc, emb_ref[...], preferred_element_type=jnp.float32)
        z = jnp.concatenate([pooled, ce], axis=1)
        z = jnp.dot(z, wc1_ref[...], preferred_element_type=jnp.float32)
        z = z + bc1_ref[...]
        z = jnp.maximum(z, 0.0) + 0.2 * jnp.minimum(z, 0.0)
        o = jnp.dot(z, wc2_ref[...], preferred_element_type=jnp.float32)
        out_ref[...] = o + bc2_ref[...]


def _tc_head(act, batch3, cl3, emb_p, Wc1, bc1r, Wc2p, bc2p):
    bl = NPAD // 8
    return pl.pallas_call(
        _head_body,
        grid=(8,),
        in_specs=[
            pl.BlockSpec((bl, D), lambda i: (i, 0)),
            pl.BlockSpec((1, 1, bl), lambda i: (i, 0, 0)),
            pl.BlockSpec((1, 1, NUM_GRAPHS), lambda i: (0, 0, 0)),
            pl.BlockSpec((16, 64), lambda i: (0, 0)),
            pl.BlockSpec((D + 64, D), lambda i: (0, 0)),
            pl.BlockSpec((1, D), lambda i: (0, 0)),
            pl.BlockSpec((D, 8), lambda i: (0, 0)),
            pl.BlockSpec((1, 8), lambda i: (0, 0)),
        ],
        out_specs=pl.BlockSpec((NUM_GRAPHS, 8), lambda i: (0, 0)),
        out_shape=jax.ShapeDtypeStruct((NUM_GRAPHS, 8), jnp.float32),
        scratch_shapes=[
            pltpu.VMEM((NUM_GRAPHS, D), jnp.float32),
            pltpu.VMEM((NUM_GRAPHS, D), jnp.float32),
        ],
    )(act, batch3, cl3, emb_p, Wc1, bc1r, Wc2p, bc2p)


def kernel(x, edge_index, batch, class_labels, W1, b1, emb, Wc1, bc1, Wc2, bc2):
    ei = edge_index.astype(jnp.int32).reshape(2 * E)
    packed, counts, deg = _sc_filter(ei)

    x_pad = jnp.zeros((NPAD, D), jnp.float32).at[:N].set(x)
    g, dis3 = _tc_matmul(x_pad, W1, deg.reshape(8, 1, NPAD // 8))
    dis = dis3.reshape(NPAD)

    act = _sc_aggregate(packed, counts, g, dis, b1)

    batch_pad = jnp.concatenate(
        [batch.astype(jnp.int32), jnp.full((NPAD - N,), -1, jnp.int32)]
    ).reshape(8, 1, NPAD // 8)
    cl3 = class_labels.astype(jnp.int32).reshape(1, 1, NUM_GRAPHS)
    emb_p = jnp.zeros((16, 64), jnp.float32).at[:10].set(emb)
    Wc2p = jnp.zeros((D, 8), jnp.float32).at[:, 0].set(Wc2[:, 0])
    bc2p = jnp.zeros((1, 8), jnp.float32).at[0, 0].set(bc2[0])

    out = _tc_head(act, batch_pad, cl3, emb_p, Wc1,
                   bc1.reshape(1, D), Wc2p, bc2p)
    return out[:, :1]

# --- scband reference (transcript-rebuilt; emitter-appended) ---
"""Pipeline reference for scband-discriminator-80333068304702 (READ-ONLY COPY).

The authoritative reference and input builder live on the scoring server;
editing this copy changes nothing except your own understanding.
"""

import jax, jax.numpy as jnp
import numpy as np

N_NODES = 10000
N_EDGES = 320000
D_FEAT = 128
HIDDEN = 128
NUM_CLASSES = 10
NUM_GRAPHS = 64


def setup_inputs(seed: int = 0) -> dict:
    key = jax.random.key(seed)
    ks = jax.random.split(key, 12)
    x = jax.random.normal(ks[0], (N_NODES, D_FEAT), dtype=jnp.float32)
    edge_index = jax.random.randint(ks[1], (2, N_EDGES), 0, N_NODES, dtype=jnp.int64 if jax.config.jax_enable_x64 else jnp.int32)
    batch = jnp.sort(jax.random.randint(ks[2], (N_NODES,), 0, NUM_GRAPHS))
    class_labels = jax.random.randint(ks[3], (NUM_GRAPHS,), 0, NUM_CLASSES)
    # GCNConv params
    W1 = jax.random.normal(ks[4], (D_FEAT, HIDDEN), dtype=jnp.float32) * (1.0 / np.sqrt(D_FEAT))
    b1 = jnp.zeros((HIDDEN,), dtype=jnp.float32)
    # class embedding table [num_classes, hidden//2]
    emb = jax.random.normal(ks[5], (NUM_CLASSES, HIDDEN // 2), dtype=jnp.float32)
    # classifier: Linear(hidden + hidden//2 -> hidden), LeakyReLU(0.2), Linear(hidden -> 1)
    Wc1 = jax.random.normal(ks[6], (HIDDEN + HIDDEN // 2, HIDDEN), dtype=jnp.float32) * (1.0 / np.sqrt(HIDDEN + HIDDEN // 2))
    bc1 = jnp.zeros((HIDDEN,), dtype=jnp.float32)
    Wc2 = jax.random.normal(ks[7], (HIDDEN, 1), dtype=jnp.float32) * (1.0 / np.sqrt(HIDDEN))
    bc2 = jnp.zeros((1,), dtype=jnp.float32)
    return {"x": x, "edge_index": edge_index, "batch": batch, "class_labels": class_labels,
            "W1": W1, "b1": b1, "emb": emb, "Wc1": Wc1, "bc1": bc1, "Wc2": Wc2, "bc2": bc2}


def _gcn_conv(x, edge_index, W, b):
    N = x.shape[0]
    self_loop = jnp.arange(N, dtype=edge_index.dtype)
    src = jnp.concatenate([edge_index[0], self_loop])
    dst = jnp.concatenate([edge_index[1], self_loop])
    deg = jnp.zeros((N,), dtype=x.dtype).at[dst].add(1.0)
    deg_inv_sqrt = jnp.where(deg > 0, deg ** -0.5, 0.0)
    norm = deg_inv_sqrt[src] * deg_inv_sqrt[dst]
    h = x @ W
    msg = h[src] * norm[:, None]
    out = jax.ops.segment_sum(msg, dst, num_segments=N)
    return out + b


def reference(x, edge_index, batch, class_labels, W1, b1, emb, Wc1, bc1, Wc2, bc2):
    # conv1 + LeakyReLU(0.2)
    h = jax.nn.leaky_relu(_gcn_conv(x, edge_index, W1, b1), negative_slope=0.2)
    # global_mean_pool over batch assignment
    sums = jax.ops.segment_sum(h, batch, num_segments=NUM_GRAPHS)
    counts = jax.ops.segment_sum(jnp.ones((h.shape[0],), dtype=h.dtype), batch, num_segments=NUM_GRAPHS)
    pooled = sums / jnp.maximum(counts, 1.0)[:, None]
    # class embedding lookup
    class_embed = jnp.take(emb, class_labels, axis=0)
    z = jnp.concatenate([pooled, class_embed], axis=1)
    # classifier
    z = jax.nn.leaky_relu(z @ Wc1 + bc1, negative_slope=0.2)
    out = z @ Wc2 + bc2
    return out

if __name__ == "__main__":
    import jax
    _d = setup_inputs()
    print(jax.jit(kernel)(*tuple(_d.values())))

</pallas_src>

<mosaic_0001>
#map = affine_map<(d0, d1) -> (0)>
module attributes {stable_mosaic.version = 14 : i64} {
  func.func @_filter_body(%arg0: i32, %arg1: i32, %arg2: memref<640000xi32, #tpu.memory_space<hbm>>, %arg3: memref<10280960xi32, #tpu.memory_space<hbm>>, %arg4: memref<40960xi32, #tpu.memory_space<hbm>>, %arg5: memref<10240xf32, #tpu.memory_space<hbm>>, %arg6: memref<4000xi32, #tpu.memory_space<vmem>>, %arg7: memref<4000xi32, #tpu.memory_space<vmem>>, %arg8: memref<4016xi32, #tpu.memory_space<vmem>>, %arg9: memref<320xf32, #tpu.memory_space<vmem>>, %arg10: memref<1280xi32, #tpu.memory_space<vmem>>) attributes {dimension_semantics = [#tpu.dimension_semantics<core_parallel>, #tpu.dimension_semantics<subcore_parallel>], iteration_bounds = array<i64: 2, 16>, scalar_prefetch = 0 : i64, scratch_operands = 5 : i64, tpu.core_type = #tpu.core_type<sc_vector_subcore>, window_params = [{transform_indices = #map}, {transform_indices = #map}, {transform_indices = #map}, {transform_indices = #map}]} {
    %mul3A = arith.constant 2 : i32
    %mul3A_0 = arith.muli %arg1, %mul3A : i32
    %add3A = arith.addi %mul3A_0, %arg0 : i32
    %mul3A_1 = arith.constant 320 : i32
    %mul3A_2 = arith.muli %add3A, %mul3A_1 : i32
    %broadcast_in_dim3A = arith.constant 1.000000e+00 : f32
    %broadcast_in_dim3A_3 = vector.broadcast %broadcast_in_dim3A : f32 to vector<16xf32>
    %scan3A = arith.constant 0 : i32
    %scan3A_4 = arith.constant 0 : i32
    %scan3A_5 = arith.constant 20 : i32
    %scan3A_6 = arith.addi %scan3A_4, %scan3A_5 : i32
    %scan3A_7 = arith.constant 1 : i32
    %scan3A_8 = scf.for %scan3A_21 = %scan3A_4 to %scan3A_6 step %scan3A_7 iter_args(%scan3A_22 = %scan3A) -> (i32)  : i32 {
      %broadcast_in_dim3A_23 = arith.constant 0.000000e+00 : f32
      %broadcast_in_dim3A_24 = vector.broadcast %broadcast_in_dim3A_23 : f32 to vector<16xf32>
      %mul3A_25 = arith.constant 16 : i32
      %mul3A_26 = arith.muli %scan3A_21, %mul3A_25 : i32
      %swap3A = arith.index_cast %mul3A_26 : i32 to index
      %swap3A_27 = tpu.vector_load %arg9[%swap3A] {strides = array<i32>} : memref<320xf32, #tpu.memory_space<vmem>>, vector<16xf32>,
      tpu.vector_store %arg9[%swap3A], %broadcast_in_dim3A_24 {strides = array<i32>} : memref<320xf32, #tpu.memory_space<vmem>>, vector<16xf32>,
      %scan3A_28 = arith.constant 0 : i32
      scf.yield %scan3A_28 : i32
    }
    %scan3A_9 = arith.constant 20 : i32
    %scan3A_10 = arith.constant 0 : i32
    %scan3A_11 = arith.constant 0 : i32
    %scan3A_12 = arith.constant 80 : i32
    %scan3A_13 = arith.addi %scan3A_11, %scan3A_12 : i32
    %scan3A_14 = arith.constant 1 : i32
    %scan3A_15 = scf.for %scan3A_21 = %scan3A_11 to %scan3A_13 step %scan3A_14 iter_args(%scan3A_22 = %scan3A_10) -> (i32)  : i32 {
      %mul3A_23 = arith.constant 4000 : i32
      %mul3A_24 = arith.muli %scan3A_21, %mul3A_23 : i32
      "tpu.region"() ({
        %run_scoped3A = tpu.sem_alloc : memref<!tpu.dma_semaphore, #tpu.memory_space<semaphore_mem>>
        %dma_start3A = tpu.memref_slice %arg2[%mul3A_24] : memref<640000xi32, #tpu.memory_space<hbm>> -> memref<4000xi32, #tpu.memory_space<hbm>>
        %dma_start3A_46 = tpu.memref_slice %arg2[%mul3A_24] : memref<640000xi32, #tpu.memory_space<hbm>> -> memref<4000xi32, #tpu.memory_space<hbm>>
        tpu.enqueue_dma source(%dma_start3A_46 : memref<4000xi32, #tpu.memory_space<hbm>>) target(%arg6 : memref<4000xi32, #tpu.memory_space<vmem>>) target_semaphore(%run_scoped3A : memref<!tpu.dma_semaphore, #tpu.memory_space<semaphore_mem>>)
        %dma_wait3A = tpu.memref_slice %arg2[%mul3A_24] : memref<640000xi32, #tpu.memory_space<hbm>> -> memref<4000xi32, #tpu.memory_space<hbm>>
        %dma_wait3A_47 = tpu.memref_slice %arg2[%mul3A_24] : memref<640000xi32, #tpu.memory_space<hbm>> -> memref<4000xi32, #tpu.memory_space<hbm>>
        tpu.wait_dma2 semaphore(%run_scoped3A : memref<!tpu.dma_semaphore, #tpu.memory_space<semaphore_mem>>) src(%dma_wait3A_47 : memref<4000xi32, #tpu.memory_space<hbm>>) dst(%arg6 : memref<4000xi32, #tpu.memory_space<vmem>>)
        tpu.yield
      }) : () -> ()
      %mul3A_25 = arith.constant 4000 : i32
      %mul3A_26 = arith.muli %scan3A_21, %mul3A_25 : i32
      %add3A_27 = arith.constant 320000 : i32
      %add3A_28 = arith.addi %add3A_27, %mul3A_26 : i32
      "tpu.region"() ({
        %run_scoped3A = tpu.sem_alloc : memref<!tpu.dma_semaphore, #tpu.memory_space<semaphore_mem>>
        %dma_start3A = tpu.memref_slice %arg2[%add3A_28] : memref<640000xi32, #tpu.memory_space<hbm>> -> memref<4000xi32, #tpu.memory_space<hbm>>
        %dma_start3A_46 = tpu.memref_slice %arg2[%add3A_28] : memref<640000xi32, #tpu.memory_space<hbm>> -> memref<4000xi32, #tpu.memory_space<hbm>>
        tpu.enqueue_dma source(%dma_start3A_46 : memref<4000xi32, #tpu.memory_space<hbm>>) target(%arg7 : memref<4000xi32, #tpu.memory_space<vmem>>) target_semaphore(%run_scoped3A : memref<!tpu.dma_semaphore, #tpu.memory_space<semaphore_mem>>)
        %dma_wait3A = tpu.memref_slice %arg2[%add3A_28] : memref<640000xi32, #tpu.memory_space<hbm>> -> memref<4000xi32, #tpu.memory_space<hbm>>
        %dma_wait3A_47 = tpu.memref_slice %arg2[%add3A_28] : memref<640000xi32, #tpu.memory_space<hbm>> -> memref<4000xi32, #tpu.memory_space<hbm>>
        tpu.wait_dma2 semaphore(%run_scoped3A : memref<!tpu.dma_semaphore, #tpu.memory_space<semaphore_mem>>) src(%dma_wait3A_47 : memref<4000xi32, #tpu.memory_space<hbm>>) dst(%arg7 : memref<4000xi32, #tpu.memory_space<vmem>>)
        tpu.yield
      }) : () -> ()
      %scan3A_29 = arith.constant 0 : i32
      %scan3A_30 = arith.constant 0 : i32
      %scan3A_31 = arith.constant 250 : i32
      %scan3A_32 = arith.addi %scan3A_30, %scan3A_31 : i32
      %scan3A_33 = arith.constant 1 : i32
      %scan3A_34 = scf.for %scan3A_46 = %scan3A_30 to %scan3A_32 step %scan3A_33 iter_args(%scan3A_47 = %scan3A_29) -> (i32)  : i32 {
        %mul3A_48 = arith.constant 16 : i32
        %mul3A_49 = arith.muli %scan3A_46, %mul3A_48 : i32
        %get3A = arith.index_cast %mul3A_49 : i32 to index
        %get3A_50 = tpu.vector_load %arg6[%get3A] {strides = array<i32>} : memref<4000xi32, #tpu.memory_space<vmem>>, vector<16xi32>,
        %mul3A_51 = arith.constant 16 : i32
        %mul3A_52 = arith.muli %scan3A_46, %mul3A_51 : i32
        %get3A_53 = arith.index_cast %mul3A_52 : i32 to index
        %get3A_54 = tpu.vector_load %arg7[%get3A_53] {strides = array<i32>} : memref<4000xi32, #tpu.memory_space<vmem>>, vector<16xi32>,
        %sub3A = vector.broadcast %mul3A_2 : i32 to vector<16xi32>
        %sub3A_55 = arith.subi %get3A_54, %sub3A : vector<16xi32>
        %ge3A = vector.broadcast %mul3A_2 : i32 to vector<16xi32>
        %ge3A_56 = arith.cmpi sge, %get3A_54, %ge3A : vector<16xi32>
        %add3A_57 = arith.constant 320 : i32
        %add3A_58 = arith.addi %mul3A_2, %add3A_57 : i32
        %lt3A = vector.broadcast %add3A_58 : i32 to vector<16xi32>
        %lt3A_59 = arith.cmpi slt, %get3A_54, %lt3A : vector<16xi32>
        %and3A = arith.andi %ge3A_56, %lt3A_59 : vector<16xi1>
        %shift_left3A = arith.constant 14 : i32
        %shift_left3A_60 = vector.broadcast %shift_left3A : i32 to vector<16xi32>
        %shift_left3A_61 = arith.shli %sub3A_55, %shift_left3A_60 : vector<16xi32>
        %or3A = arith.ori %get3A_50, %shift_left3A_61 : vector<16xi32>
        %convert_element_type3A = arith.extui %and3A : vector<16xi1> to vector<16xi32>
        %broadcast_in_dim3A_62 = arith.constant true
        %broadcast_in_dim3A_63 = vector.broadcast %broadcast_in_dim3A_62 : i1 to vector<16xi1>
        %masked_cumsum3A = tpu.scan <sum>, %convert_element_type3A masked %broadcast_in_dim3A_63 : vector<16xi32>, vector<16xi1> -> vector<16xi32>
        %sub3A_64 = arith.subi %masked_cumsum3A, %convert_element_type3A : vector<16xi32>
        %add3A_65 = vector.broadcast %scan3A_47 : i32 to vector<16xi32>
        %add3A_66 = arith.addi %sub3A_64, %add3A_65 : vector<16xi32>
        tpu.vector_store_idx %arg8[%add3A_66], %or3A masked %and3A : memref<4016xi32, #tpu.memory_space<vmem>>[vector<16xi32>], vector<16xi32>, vector<16xi1>
        %jit3A = arith.constant 0 : i32
        %jit3A_67 = arith.constant 319 : i32
        %max3A = vector.broadcast %jit3A : i32 to vector<16xi32>
        %max3A_68 = arith.maxsi %max3A, %sub3A_55 : vector<16xi32>
        %min3A = vector.broadcast %jit3A_67 : i32 to vector<16xi32>
        %min3A_69 = arith.minsi %min3A, %max3A_68 : vector<16xi32>
        tpu.vector_store_idx %arg9[%min3A_69], %broadcast_in_dim3A_3 masked %and3A {add = true} : memref<320xf32, #tpu.memory_space<vmem>>[vector<16xi32>], vector<16xf32>, vector<16xi1>
        %slice3A = vector.extract_strided_slice %masked_cumsum3A {offsets = [15], sizes = [1], strides = [1]} : vector<16xi32> to vector<1xi32>
        %squeeze3A = vector.extract %slice3A[0] : i32 from vector<1xi32>
        %add3A_70 = arith.addi %scan3A_47, %squeeze3A : i32
        scf.yield %add3A_70 : i32
      }
      %scan3A_35 = arith.constant 250 : i32
      %mul3A_36 = arith.constant 80 : i32
      %mul3A_37 = arith.muli %add3A, %mul3A_36 : i32
      %add3A_38 = arith.addi %mul3A_37, %scan3A_21 : i32
      %mul3A_39 = arith.constant 4016 : i32
      %mul3A_40 = arith.muli %add3A_38, %mul3A_39 : i32
      "tpu.region"() ({
        %run_scoped3A = tpu.sem_alloc : memref<!tpu.dma_semaphore, #tpu.memory_space<semaphore_mem>>
        %dma_start3A = tpu.memref_slice %arg3[%mul3A_40] : memref<10280960xi32, #tpu.memory_space<hbm>> -> memref<4016xi32, #tpu.memory_space<hbm>>
        %dma_start3A_46 = tpu.memref_slice %arg3[%mul3A_40] : memref<10280960xi32, #tpu.memory_space<hbm>> -> memref<4016xi32, #tpu.memory_space<hbm>>
        tpu.enqueue_dma source(%arg8 : memref<4016xi32, #tpu.memory_space<vmem>>) target(%dma_start3A_46 : memref<4016xi32, #tpu.memory_space<hbm>>) target_semaphore(%run_scoped3A : memref<!tpu.dma_semaphore, #tpu.memory_space<semaphore_mem>>)
        %dma_wait3A = tpu.memref_slice %arg3[%mul3A_40] : memref<10280960xi32, #tpu.memory_space<hbm>> -> memref<4016xi32, #tpu.memory_space<hbm>>
        %dma_wait3A_47 = tpu.memref_slice %arg3[%mul3A_40] : memref<10280960xi32, #tpu.memory_space<hbm>> -> memref<4016xi32, #tpu.memory_space<hbm>>
        tpu.wait_dma2 semaphore(%run_scoped3A : memref<!tpu.dma_semaphore, #tpu.memory_space<semaphore_mem>>) src(%arg8 : memref<4016xi32, #tpu.memory_space<vmem>>) dst(%dma_wait3A_47 : memref<4016xi32, #tpu.memory_space<hbm>>)
        tpu.yield
      }) : () -> ()
      %broadcast_in_dim3A_41 = vector.broadcast %scan3A_34 : i32 to vector<16xi32>
      %mul3A_42 = arith.constant 16 : i32
      %mul3A_43 = arith.muli %scan3A_21, %mul3A_42 : i32
      %swap3A = arith.index_cast %mul3A_43 : i32 to index
      %swap3A_44 = tpu.vector_load %arg10[%swap3A] {strides = array<i32>} : memref<1280xi32, #tpu.memory_space<vmem>>, vector<16xi32>,
      tpu.vector_store %arg10[%swap3A], %broadcast_in_dim3A_41 {strides = array<i32>} : memref<1280xi32, #tpu.memory_space<vmem>>, vector<16xi32>,
      %scan3A_45 = arith.constant 0 : i32
      scf.yield %scan3A_45 : i32
    }
    %scan3A_16 = arith.constant 80 : i32
    %mul3A_17 = arith.constant 80 : i32
    %mul3A_18 = arith.muli %add3A, %mul3A_17 : i32
    %mul3A_19 = arith.constant 16 : i32
    %mul3A_20 = arith.muli %mul3A_18, %mul3A_19 : i32
    "tpu.region"() ({
      %run_scoped3A = tpu.sem_alloc : memref<!tpu.dma_semaphore, #tpu.memory_space<semaphore_mem>>
      %dma_start3A = tpu.memref_slice %arg4[%mul3A_20] : memref<40960xi32, #tpu.memory_space<hbm>> -> memref<1280xi32, #tpu.memory_space<hbm>>
      %dma_start3A_21 = tpu.memref_slice %arg4[%mul3A_20] : memref<40960xi32, #tpu.memory_space<hbm>> -> memref<1280xi32, #tpu.memory_space<hbm>>
      tpu.enqueue_dma source(%arg10 : memref<1280xi32, #tpu.memory_space<vmem>>) target(%dma_start3A_21 : memref<1280xi32, #tpu.memory_space<hbm>>) target_semaphore(%run_scoped3A : memref<!tpu.dma_semaphore, #tpu.memory_space<semaphore_mem>>)
      %dma_wait3A = tpu.memref_slice %arg4[%mul3A_20] : memref<40960xi32, #tpu.memory_space<hbm>> -> memref<1280xi32, #tpu.memory_space<hbm>>
      %dma_wait3A_22 = tpu.memref_slice %arg4[%mul3A_20] : memref<40960xi32, #tpu.memory_space<hbm>> -> memref<1280xi32, #tpu.memory_space<hbm>>
      tpu.wait_dma2 semaphore(%run_scoped3A : memref<!tpu.dma_semaphore, #tpu.memory_space<semaphore_mem>>) src(%arg10 : memref<1280xi32, #tpu.memory_space<vmem>>) dst(%dma_wait3A_22 : memref<1280xi32, #tpu.memory_space<hbm>>)
      tpu.yield
    }) : () -> ()
    "tpu.region"() ({
      %run_scoped3A = tpu.sem_alloc : memref<!tpu.dma_semaphore, #tpu.memory_space<semaphore_mem>>
      %dma_start3A = tpu.memref_slice %arg5[%mul3A_2] : memref<10240xf32, #tpu.memory_space<hbm>> -> memref<320xf32, #tpu.memory_space<hbm>>
      %dma_start3A_21 = tpu.memref_slice %arg5[%mul3A_2] : memref<10240xf32, #tpu.memory_space<hbm>> -> memref<320xf32, #tpu.memory_space<hbm>>
      tpu.enqueue_dma source(%arg9 : memref<320xf32, #tpu.memory_space<vmem>>) target(%dma_start3A_21 : memref<320xf32, #tpu.memory_space<hbm>>) target_semaphore(%run_scoped3A : memref<!tpu.dma_semaphore, #tpu.memory_space<semaphore_mem>>)
      %dma_wait3A = tpu.memref_slice %arg5[%mul3A_2] : memref<10240xf32, #tpu.memory_space<hbm>> -> memref<320xf32, #tpu.memory_space<hbm>>
      %dma_wait3A_22 = tpu.memref_slice %arg5[%mul3A_2] : memref<10240xf32, #tpu.memory_space<hbm>> -> memref<320xf32, #tpu.memory_space<hbm>>
      tpu.wait_dma2 semaphore(%run_scoped3A : memref<!tpu.dma_semaphore, #tpu.memory_space<semaphore_mem>>) src(%arg9 : memref<320xf32, #tpu.memory_space<vmem>>) dst(%dma_wait3A_22 : memref<320xf32, #tpu.memory_space<hbm>>)
      tpu.yield
    }) : () -> ()
    return
  }
}

#map = affine_map<(d0, d1) -> (0)>
#map1 = affine_map<(d0, d1) -> (0, 0)>
module attributes {stable_mosaic.version = 14 : i64} {
  func.func @_agg_body(%arg0: i32, %arg1: i32, %arg2: memref<10280960xi32, #tpu.memory_space<hbm>>, %arg3: memref<40960xi32, #tpu.memory_space<hbm>>, %arg4: memref<10240x128xf32, #tpu.memory_space<hbm>>, %arg5: memref<10240xf32, #tpu.memory_space<hbm>>, %arg6: memref<128xf32, #tpu.memory_space<hbm>>, %arg7: memref<10240x128xf32, #tpu.memory_space<hbm>>, %arg8: memref<4016xi32, #tpu.memory_space<vmem>>, %arg9: memref<4064xi32, #tpu.memory_space<vmem>>, %arg10: memref<4080xi32, #tpu.memory_space<vmem>>, %arg11: memref<64x128xf32, #tpu.memory_space<vmem>>, %arg12: memref<1280xi32, #tpu.memory_space<vmem>>, %arg13: memref<336xf32, #tpu.memory_space<vmem>>, %arg14: memref<128xf32, #tpu.memory_space<vmem>>, %arg15: memref<320x128xf32, #tpu.memory_space<vmem>>, %arg16: memref<!tpu.dma_semaphore, #tpu.memory_space<semaphore_mem>>) attributes {dimension_semantics = [#tpu.dimension_semantics<core_parallel>, #tpu.dimension_semantics<subcore_parallel>], iteration_bounds = array<i64: 2, 16>, scalar_prefetch = 0 : i64, scratch_operands = 9 : i64, tpu.core_type = #tpu.core_type<sc_vector_subcore>, window_params = [{transform_indices = #map}, {transform_indices = #map}, {transform_indices = #map1}, {transform_indices = #map}, {transform_indices = #map}, {transform_indices = #map1}]} {
    %mul3A = arith.constant 2 : i32
    %mul3A_0 = arith.muli %arg1, %mul3A : i32
    %add3A = arith.addi %mul3A_0, %arg0 : i32
    %mul3A_1 = arith.constant 320 : i32
    %mul3A_2 = arith.muli %add3A, %mul3A_1 : i32
    %scan3A = arith.constant 0 : i32
    %scan3A_3 = arith.constant 0 : i32
    %scan3A_4 = arith.constant 320 : i32
    %scan3A_5 = arith.addi %scan3A_3, %scan3A_4 : i32
    %scan3A_6 = arith.constant 1 : i32
    %scan3A_7 = scf.for %scan3A_27 = %scan3A_3 to %scan3A_5 step %scan3A_6 iter_args(%scan3A_28 = %scan3A) -> (i32)  : i32 {
      %broadcast_in_dim3A = arith.constant 0.000000e+00 : f32
      %broadcast_in_dim3A_29 = vector.broadcast %broadcast_in_dim3A : f32 to vector<16xf32>
      %swap3A = arith.index_cast %scan3A_27 : i32 to index
      %swap3A_30 = arith.constant 0 : index
      %swap3A_31 = tpu.vector_load %arg15[%swap3A, %swap3A_30] {strides = array<i32>} : memref<320x128xf32, #tpu.memory_space<vmem>>, vector<16xf32>,
      tpu.vector_store %arg15[%swap3A, %swap3A_30], %broadcast_in_dim3A_29 {strides = array<i32>} : memref<320x128xf32, #tpu.memory_space<vmem>>, vector<16xf32>,
      %broadcast_in_dim3A_32 = arith.constant 0.000000e+00 : f32
      %broadcast_in_dim3A_33 = vector.broadcast %broadcast_in_dim3A_32 : f32 to vector<16xf32>
      %swap3A_34 = arith.index_cast %scan3A_27 : i32 to index
      %swap3A_35 = arith.constant 16 : index
      %swap3A_36 = tpu.vector_load %arg15[%swap3A_34, %swap3A_35] {strides = array<i32>} : memref<320x128xf32, #tpu.memory_space<vmem>>, vector<16xf32>,
      tpu.vector_store %arg15[%swap3A_34, %swap3A_35], %broadcast_in_dim3A_33 {strides = array<i32>} : memref<320x128xf32, #tpu.memory_space<vmem>>, vector<16xf32>,
      %broadcast_in_dim3A_37 = arith.constant 0.000000e+00 : f32
      %broadcast_in_dim3A_38 = vector.broadcast %broadcast_in_dim3A_37 : f32 to vector<16xf32>
      %swap3A_39 = arith.index_cast %scan3A_27 : i32 to index
      %swap3A_40 = arith.constant 32 : index
      %swap3A_41 = tpu.vector_load %arg15[%swap3A_39, %swap3A_40] {strides = array<i32>} : memref<320x128xf32, #tpu.memory_space<vmem>>, vector<16xf32>,
      tpu.vector_store %arg15[%swap3A_39, %swap3A_40], %broadcast_in_dim3A_38 {strides = array<i32>} : memref<320x128xf32, #tpu.memory_space<vmem>>, vector<16xf32>,
      %broadcast_in_dim3A_42 = arith.constant 0.000000e+00 : f32
      %broadcast_in_dim3A_43 = vector.broadcast %broadcast_in_dim3A_42 : f32 to vector<16xf32>
      %swap3A_44 = arith.index_cast %scan3A_27 : i32 to index
      %swap3A_45 = arith.constant 48 : index
      %swap3A_46 = tpu.vector_load %arg15[%swap3A_44, %swap3A_45] {strides = array<i32>} : memref<320x128xf32, #tpu.memory_space<vmem>>, vector<16xf32>,
      tpu.vector_store %arg15[%swap3A_44, %swap3A_45], %broadcast_in_dim3A_43 {strides = array<i32>} : memref<320x128xf32, #tpu.memory_space<vmem>>, vector<16xf32>,
      %broadcast_in_dim3A_47 = arith.constant 0.000000e+00 : f32
      %broadcast_in_dim3A_48 = vector.broadcast %broadcast_in_dim3A_47 : f32 to vector<16xf32>
      %swap3A_49 = arith.index_cast %scan3A_27 : i32 to index
      %swap3A_50 = arith.constant 64 : index
      %swap3A_51 = tpu.vector_load %arg15[%swap3A_49, %swap3A_50] {strides = array<i32>} : memref<320x128xf32, #tpu.memory_space<vmem>>, vector<16xf32>,
      tpu.vector_store %arg15[%swap3A_49, %swap3A_50], %broadcast_in_dim3A_48 {strides = array<i32>} : memref<320x128xf32, #tpu.memory_space<vmem>>, vector<16xf32>,
      %broadcast_in_dim3A_52 = arith.constant 0.000000e+00 : f32
      %broadcast_in_dim3A_53 = vector.broadcast %broadcast_in_dim3A_52 : f32 to vector<16xf32>
      %swap3A_54 = arith.index_cast %scan3A_27 : i32 to index
      %swap3A_55 = arith.constant 80 : index
      %swap3A_56 = tpu.vector_load %arg15[%swap3A_54, %swap3A_55] {strides = array<i32>} : memref<320x128xf32, #tpu.memory_space<vmem>>, vector<16xf32>,
      tpu.vector_store %arg15[%swap3A_54, %swap3A_55], %broadcast_in_dim3A_53 {strides = array<i32>} : memref<320x128xf32, #tpu.memory_space<vmem>>, vector<16xf32>,
      %broadcast_in_dim3A_57 = arith.constant 0.000000e+00 : f32
      %broadcast_in_dim3A_58 = vector.broadcast %broadcast_in_dim3A_57 : f32 to vector<16xf32>
      %swap3A_59 = arith.index_cast %scan3A_27 : i32 to index
      %swap3A_60 = arith.constant 96 : index
      %swap3A_61 = tpu.vector_load %arg15[%swap3A_59, %swap3A_60] {strides = array<i32>} : memref<320x128xf32, #tpu.memory_space<vmem>>, vector<16xf32>,
      tpu.vector_store %arg15[%swap3A_59, %swap3A_60], %broadcast_in_dim3A_58 {strides = array<i32>} : memref<320x128xf32, #tpu.memory_space<vmem>>, vector<16xf32>,
      %broadcast_in_dim3A_62 = arith.constant 0.000000e+00 : f32
      %broadcast_in_dim3A_63 = vector.broadcast %broadcast_in_dim3A_62 : f32 to vector<16xf32>
      %swap3A_64 = arith.index_cast %scan3A_27 : i32 to index
      %swap3A_65 = arith.constant 112 : index
      %swap3A_66 = tpu.vector_load %arg15[%swap3A_64, %swap3A_65] {strides = array<i32>} : memref<320x128xf32, #tpu.memory_space<vmem>>, vector<16xf32>,
      tpu.vector_store %arg15[%swap3A_64, %swap3A_65], %broadcast_in_dim3A_63 {strides = array<i32>} : memref<320x128xf32, #tpu.memory_space<vmem>>, vector<16xf32>,
      %scan3A_67 = arith.constant 0 : i32
      scf.yield %scan3A_67 : i32
    }
    %scan3A_8 = arith.constant 320 : i32
    %mul3A_9 = arith.constant 80 : i32
    %mul3A_10 = arith.muli %add3A, %mul3A_9 : i32
    %mul3A_11 = arith.constant 16 : i32
    %mul3A_12 = arith.muli %mul3A_10, %mul3A_11 : i32
    "tpu.region"() ({
      %run_scoped3A = tpu.sem_alloc : memref<!tpu.dma_semaphore, #tpu.memory_space<semaphore_mem>>
      %dma_start3A = tpu.memref_slice %arg3[%mul3A_12] : memref<40960xi32, #tpu.memory_space<hbm>> -> memref<1280xi32, #tpu.memory_space<hbm>>
      %dma_start3A_27 = tpu.memref_slice %arg3[%mul3A_12] : memref<40960xi32, #tpu.memory_space<hbm>> -> memref<1280xi32, #tpu.memory_space<hbm>>
      tpu.enqueue_dma source(%dma_start3A_27 : memref<1280xi32, #tpu.memory_space<hbm>>) target(%arg12 : memref<1280xi32, #tpu.memory_space<vmem>>) target_semaphore(%run_scoped3A : memref<!tpu.dma_semaphore, #tpu.memory_space<semaphore_mem>>)
      %dma_wait3A = tpu.memref_slice %arg3[%mul3A_12] : memref<40960xi32, #tpu.memory_space<hbm>> -> memref<1280xi32, #tpu.memory_space<hbm>>
      %dma_wait3A_28 = tpu.memref_slice %arg3[%mul3A_12] : memref<40960xi32, #tpu.memory_space<hbm>> -> memref<1280xi32, #tpu.memory_space<hbm>>
      tpu.wait_dma2 semaphore(%run_scoped3A : memref<!tpu.dma_semaphore, #tpu.memory_space<semaphore_mem>>) src(%dma_wait3A_28 : memref<1280xi32, #tpu.memory_space<hbm>>) dst(%arg12 : memref<1280xi32, #tpu.memory_space<vmem>>)
      tpu.yield
    }) : () -> ()
    "tpu.region"() ({
      %run_scoped3A = tpu.sem_alloc : memref<!tpu.dma_semaphore, #tpu.memory_space<semaphore_mem>>
      %dma_start3A = arith.constant 0 : i32
      %dma_start3A_27 = tpu.memref_slice %arg13[%dma_start3A] : memref<336xf32, #tpu.memory_space<vmem>> -> memref<320xf32, #tpu.memory_space<vmem>>
      %dma_start3A_28 = tpu.memref_slice %arg5[%mul3A_2] : memref<10240xf32, #tpu.memory_space<hbm>> -> memref<320xf32, #tpu.memory_space<hbm>>
      %dma_start3A_29 = arith.constant 0 : i32
      %dma_start3A_30 = tpu.memref_slice %arg13[%dma_start3A_29] : memref<336xf32, #tpu.memory_space<vmem>> -> memref<320xf32, #tpu.memory_space<vmem>>
      %dma_start3A_31 = tpu.memref_slice %arg5[%mul3A_2] : memref<10240xf32, #tpu.memory_space<hbm>> -> memref<320xf32, #tpu.memory_space<hbm>>
      tpu.enqueue_dma source(%dma_start3A_31 : memref<320xf32, #tpu.memory_space<hbm>>) target(%dma_start3A_30 : memref<320xf32, #tpu.memory_space<vmem>>) target_semaphore(%run_scoped3A : memref<!tpu.dma_semaphore, #tpu.memory_space<semaphore_mem>>)
      %dma_wait3A = arith.constant 0 : i32
      %dma_wait3A_32 = tpu.memref_slice %arg13[%dma_wait3A] : memref<336xf32, #tpu.memory_space<vmem>> -> memref<320xf32, #tpu.memory_space<vmem>>
      %dma_wait3A_33 = tpu.memref_slice %arg5[%mul3A_2] : memref<10240xf32, #tpu.memory_space<hbm>> -> memref<320xf32, #tpu.memory_space<hbm>>
      %dma_wait3A_34 = arith.constant 0 : i32
      %dma_wait3A_35 = tpu.memref_slice %arg13[%dma_wait3A_34] : memref<336xf32, #tpu.memory_space<vmem>> -> memref<320xf32, #tpu.memory_space<vmem>>
      %dma_wait3A_36 = tpu.memref_slice %arg5[%mul3A_2] : memref<10240xf32, #tpu.memory_space<hbm>> -> memref<320xf32, #tpu.memory_space<hbm>>
      tpu.wait_dma2 semaphore(%run_scoped3A : memref<!tpu.dma_semaphore, #tpu.memory_space<semaphore_mem>>) src(%dma_wait3A_36 : memref<320xf32, #tpu.memory_space<hbm>>) dst(%dma_wait3A_35 : memref<320xf32, #tpu.memory_space<vmem>>)
      tpu.yield
    }) : () -> ()
    "tpu.region"() ({
      %run_scoped3A = tpu.sem_alloc : memref<!tpu.dma_semaphore, #tpu.memory_space<semaphore_mem>>
      tpu.enqueue_dma source(%arg6 : memref<128xf32, #tpu.memory_space<hbm>>) target(%arg14 : memref<128xf32, #tpu.memory_space<vmem>>) target_semaphore(%run_scoped3A : memref<!tpu.dma_semaphore, #tpu.memory_space<semaphore_mem>>)
      tpu.wait_dma2 semaphore(%run_scoped3A : memref<!tpu.dma_semaphore, #tpu.memory_space<semaphore_mem>>) src(%arg6 : memref<128xf32, #tpu.memory_space<hbm>>) dst(%arg14 : memref<128xf32, #tpu.memory_space<vmem>>)
      tpu.yield
    }) : () -> ()
    %scan3A_13 = arith.constant 0 : i32
    %scan3A_14 = arith.constant 0 : i32
    %scan3A_15 = arith.constant 80 : i32
    %scan3A_16 = arith.addi %scan3A_14, %scan3A_15 : i32
    %scan3A_17 = arith.constant 1 : i32
    %scan3A_18 = scf.for %scan3A_27 = %scan3A_14 to %scan3A_16 step %scan3A_17 iter_args(%scan3A_28 = %scan3A_13) -> (i32)  : i32 {
      %mul3A_29 = arith.constant 16 : i32
      %mul3A_30 = arith.muli %scan3A_27, %mul3A_29 : i32
      %get3A = arith.index_cast %mul3A_30 : i32 to index
      %get3A_31 = tpu.vector_load %arg12[%get3A] {strides = array<i32>} : memref<1280xi32, #tpu.memory_space<vmem>>, vector<16xi32>,
      %slice3A = vector.extract_strided_slice %get3A_31 {offsets = [0], sizes = [1], strides = [1]} : vector<16xi32> to vector<1xi32>
      %squeeze3A = vector.extract %slice3A[0] : i32 from vector<1xi32>
      %mul3A_32 = arith.constant 80 : i32
      %mul3A_33 = arith.muli %add3A, %mul3A_32 : i32
      %add3A_34 = arith.addi %mul3A_33, %scan3A_27 : i32
      %mul3A_35 = arith.constant 4016 : i32
      %mul3A_36 = arith.muli %add3A_34, %mul3A_35 : i32
      "tpu.region"() ({
        %run_scoped3A = tpu.sem_alloc : memref<!tpu.dma_semaphore, #tpu.memory_space<semaphore_mem>>
        %dma_start3A = tpu.memref_slice %arg2[%mul3A_36] : memref<10280960xi32, #tpu.memory_space<hbm>> -> memref<4016xi32, #tpu.memory_space<hbm>>
        %dma_start3A_107 = tpu.memref_slice %arg2[%mul3A_36] : memref<10280960xi32, #tpu.memory_space<hbm>> -> memref<4016xi32, #tpu.memory_space<hbm>>
        tpu.enqueue_dma source(%dma_start3A_107 : memref<4016xi32, #tpu.memory_space<hbm>>) target(%arg8 : memref<4016xi32, #tpu.memory_space<vmem>>) target_semaphore(%run_scoped3A : memref<!tpu.dma_semaphore, #tpu.memory_space<semaphore_mem>>)
        %dma_wait3A = tpu.memref_slice %arg2[%mul3A_36] : memref<10280960xi32, #tpu.memory_space<hbm>> -> memref<4016xi32, #tpu.memory_space<hbm>>
        %dma_wait3A_108 = tpu.memref_slice %arg2[%mul3A_36] : memref<10280960xi32, #tpu.memory_space<hbm>> -> memref<4016xi32, #tpu.memory_space<hbm>>
        tpu.wait_dma2 semaphore(%run_scoped3A : memref<!tpu.dma_semaphore, #tpu.memory_space<semaphore_mem>>) src(%dma_wait3A_108 : memref<4016xi32, #tpu.memory_space<hbm>>) dst(%arg8 : memref<4016xi32, #tpu.memory_space<vmem>>)
        tpu.yield
      }) : () -> ()
      %add3A_37 = arith.constant 15 : i32
      %add3A_38 = arith.addi %squeeze3A, %add3A_37 : i32
      %jit3A = arith.constant 16 : i32
      %div3A = arith.divsi %add3A_38, %jit3A : i32
      %sign3A = arith.constant 0 : i32
      %sign3A_39 = arith.cmpi sgt, %add3A_38, %sign3A : i32
      %sign3A_40 = arith.extui %sign3A_39 : i1 to i32
      %sign3A_41 = arith.constant 0 : i32
      %sign3A_42 = arith.cmpi slt, %add3A_38, %sign3A_41 : i32
      %sign3A_43 = arith.extui %sign3A_42 : i1 to i32
      %sign3A_44 = arith.subi %sign3A_40, %sign3A_43 : i32
      %sign3A_45 = arith.constant 0 : i32
      %sign3A_46 = arith.cmpi sgt, %jit3A, %sign3A_45 : i32
      %sign3A_47 = arith.extui %sign3A_46 : i1 to i32
      %sign3A_48 = arith.constant 0 : i32
      %sign3A_49 = arith.cmpi slt, %jit3A, %sign3A_48 : i32
      %sign3A_50 = arith.extui %sign3A_49 : i1 to i32
      %sign3A_51 = arith.subi %sign3A_47, %sign3A_50 : i32
      %ne3A = arith.cmpi ne, %sign3A_44, %sign3A_51 : i32
      %rem3A = arith.remsi %add3A_38, %jit3A : i32
      %ne3A_52 = arith.constant 0 : i32
      %ne3A_53 = arith.cmpi ne, %rem3A, %ne3A_52 : i32
      %and3A = arith.andi %ne3A, %ne3A_53 : i1
      %sub3A = arith.constant 1 : i32
      %sub3A_54 = arith.subi %div3A, %sub3A : i32
      %select_n3A = arith.select %and3A, %sub3A_54, %div3A : i32
      %while3A = arith.constant 0 : i32
      %while3A_55 = arith.constant 0 : i32
      %while3A_56 = arith.subi %select_n3A, %while3A : i32
      %while3A_57 = arith.addi %while3A, %while3A_56 : i32
      %while3A_58 = arith.constant 1 : i32
      %while3A_59 = arith.divsi %while3A_56, %while3A_58 : i32
      %while3A_60 = arith.muli %while3A_59, %while3A_58 : i32
      %while3A_61 = arith.addi %while3A, %while3A_60 : i32
      %while3A_62 = arith.constant 1 : i32
      %while3A_63 = scf.for %while3A_107 = %while3A to %while3A_61 step %while3A_62 iter_args(%while3A_108 = %while3A_55) -> (i32)  : i32 {
        %mul3A_109 = arith.constant 16 : i32
        %mul3A_110 = arith.muli %while3A_107, %mul3A_109 : i32
        %get3A_111 = arith.index_cast %mul3A_110 : i32 to index
        %get3A_112 = tpu.vector_load %arg8[%get3A_111] {strides = array<i32>} : memref<4016xi32, #tpu.memory_space<vmem>>, vector<16xi32>,
        %and3A_113 = arith.constant 16383 : i32
        %and3A_114 = vector.broadcast %and3A_113 : i32 to vector<16xi32>
        %and3A_115 = arith.andi %get3A_112, %and3A_114 : vector<16xi32>
        %jit3A_116 = arith.constant 0 : i32
        %jit3A_117 = arith.constant 10239 : i32
        %max3A = vector.broadcast %jit3A_116 : i32 to vector<16xi32>
        %max3A_118 = arith.maxsi %max3A, %and3A_115 : vector<16xi32>
        %min3A = vector.broadcast %jit3A_117 : i32 to vector<16xi32>
        %min3A_119 = arith.minsi %min3A, %max3A_118 : vector<16xi32>
        %shift_right_logical3A = arith.constant 14 : i32
        %shift_right_logical3A_120 = vector.broadcast %shift_right_logical3A : i32 to vector<16xi32>
        %shift_right_logical3A_121 = arith.shrui %get3A_112, %shift_right_logical3A_120 : vector<16xi32>
        %jit3A_122 = arith.constant 0 : i32
        %jit3A_123 = arith.constant 319 : i32
        %max3A_124 = vector.broadcast %jit3A_122 : i32 to vector<16xi32>
        %max3A_125 = arith.maxsi %max3A_124, %shift_right_logical3A_121 : vector<16xi32>
        %min3A_126 = vector.broadcast %jit3A_123 : i32 to vector<16xi32>
        %min3A_127 = arith.minsi %min3A_126, %max3A_125 : vector<16xi32>
        %mul3A_128 = arith.constant 16 : i32
        %mul3A_129 = arith.muli %while3A_107, %mul3A_128 : i32
        %swap3A = arith.index_cast %mul3A_129 : i32 to index
        %swap3A_130 = tpu.vector_load %arg9[%swap3A] {strides = array<i32>} : memref<4064xi32, #tpu.memory_space<vmem>>, vector<16xi32>,
        tpu.vector_store %arg9[%swap3A], %min3A_119 {strides = array<i32>} : memref<4064xi32, #tpu.memory_space<vmem>>, vector<16xi32>,
        %mul3A_131 = arith.constant 16 : i32
        %mul3A_132 = arith.muli %while3A_107, %mul3A_131 : i32
        %swap3A_133 = arith.index_cast %mul3A_132 : i32 to index
        %swap3A_134 = tpu.vector_load %arg10[%swap3A_133] {strides = array<i32>} : memref<4080xi32, #tpu.memory_space<vmem>>, vector<16xi32>,
        tpu.vector_store %arg10[%swap3A_133], %min3A_127 {strides = array<i32>} : memref<4080xi32, #tpu.memory_space<vmem>>, vector<16xi32>,
        %while3A_135 = arith.constant 0 : i32
        scf.yield %while3A_135 : i32
      }
      %while3A_64 = arith.constant 1 : i32
      %while3A_65 = scf.for %while3A_107 = %while3A_61 to %while3A_57 step %while3A_64 iter_args(%while3A_108 = %while3A_63) -> (i32)  : i32 {
        %mul3A_109 = arith.constant 16 : i32
        %mul3A_110 = arith.muli %while3A_107, %mul3A_109 : i32
        %get3A_111 = arith.index_cast %mul3A_110 : i32 to index
        %get3A_112 = tpu.vector_load %arg8[%get3A_111] {strides = array<i32>} : memref<4016xi32, #tpu.memory_space<vmem>>, vector<16xi32>,
        %and3A_113 = arith.constant 16383 : i32
        %and3A_114 = vector.broadcast %and3A_113 : i32 to vector<16xi32>
        %and3A_115 = arith.andi %get3A_112, %and3A_114 : vector<16xi32>
        %jit3A_116 = arith.constant 0 : i32
        %jit3A_117 = arith.constant 10239 : i32
        %max3A = vector.broadcast %jit3A_116 : i32 to vector<16xi32>
        %max3A_118 = arith.maxsi %max3A, %and3A_115 : vector<16xi32>
        %min3A = vector.broadcast %jit3A_117 : i32 to vector<16xi32>
        %min3A_119 = arith.minsi %min3A, %max3A_118 : vector<16xi32>
        %shift_right_logical3A = arith.constant 14 : i32
        %shift_right_logical3A_120 = vector.broadcast %shift_right_logical3A : i32 to vector<16xi32>
        %shift_right_logical3A_121 = arith.shrui %get3A_112, %shift_right_logical3A_120 : vector<16xi32>
        %jit3A_122 = arith.constant 0 : i32
        %jit3A_123 = arith.constant 319 : i32
        %max3A_124 = vector.broadcast %jit3A_122 : i32 to vector<16xi32>
        %max3A_125 = arith.maxsi %max3A_124, %shift_right_logical3A_121 : vector<16xi32>
        %min3A_126 = vector.broadcast %jit3A_123 : i32 to vector<16xi32>
        %min3A_127 = arith.minsi %min3A_126, %max3A_125 : vector<16xi32>
        %mul3A_128 = arith.constant 16 : i32
        %mul3A_129 = arith.muli %while3A_107, %mul3A_128 : i32
        %swap3A = arith.index_cast %mul3A_129 : i32 to index
        %swap3A_130 = tpu.vector_load %arg9[%swap3A] {strides = array<i32>} : memref<4064xi32, #tpu.memory_space<vmem>>, vector<16xi32>,
        tpu.vector_store %arg9[%swap3A], %min3A_119 {strides = array<i32>} : memref<4064xi32, #tpu.memory_space<vmem>>, vector<16xi32>,
        %mul3A_131 = arith.constant 16 : i32
        %mul3A_132 = arith.muli %while3A_107, %mul3A_131 : i32
        %swap3A_133 = arith.index_cast %mul3A_132 : i32 to index
        %swap3A_134 = tpu.vector_load %arg10[%swap3A_133] {strides = array<i32>} : memref<4080xi32, #tpu.memory_space<vmem>>, vector<16xi32>,
        tpu.vector_store %arg10[%swap3A_133], %min3A_127 {strides = array<i32>} : memref<4080xi32, #tpu.memory_space<vmem>>, vector<16xi32>,
        %while3A_135 = arith.constant 0 : i32
        scf.yield %while3A_135 : i32
      }
      %add3A_66 = arith.constant 64 : i32
      %add3A_67 = arith.addi %squeeze3A, %add3A_66 : i32
      %sub3A_68 = arith.constant 1 : i32
      %sub3A_69 = arith.subi %add3A_67, %sub3A_68 : i32
      %jit3A_70 = arith.constant 64 : i32
      %div3A_71 = arith.divsi %sub3A_69, %jit3A_70 : i32
      %sign3A_72 = arith.constant 0 : i32
      %sign3A_73 = arith.cmpi sgt, %sub3A_69, %sign3A_72 : i32
      %sign3A_74 = arith.extui %sign3A_73 : i1 to i32
      %sign3A_75 = arith.constant 0 : i32
      %sign3A_76 = arith.cmpi slt, %sub3A_69, %sign3A_75 : i32
      %sign3A_77 = arith.extui %sign3A_76 : i1 to i32
      %sign3A_78 = arith.subi %sign3A_74, %sign3A_77 : i32
      %sign3A_79 = arith.constant 0 : i32
      %sign3A_80 = arith.cmpi sgt, %jit3A_70, %sign3A_79 : i32
      %sign3A_81 = arith.extui %sign3A_80 : i1 to i32
      %sign3A_82 = arith.constant 0 : i32
      %sign3A_83 = arith.cmpi slt, %jit3A_70, %sign3A_82 : i32
      %sign3A_84 = arith.extui %sign3A_83 : i1 to i32
      %sign3A_85 = arith.subi %sign3A_81, %sign3A_84 : i32
      %ne3A_86 = arith.cmpi ne, %sign3A_78, %sign3A_85 : i32
      %rem3A_87 = arith.remsi %sub3A_69, %jit3A_70 : i32
      %ne3A_88 = arith.constant 0 : i32
      %ne3A_89 = arith.cmpi ne, %rem3A_87, %ne3A_88 : i32
      %and3A_90 = arith.andi %ne3A_86, %ne3A_89 : i1
      %sub3A_91 = arith.constant 1 : i32
      %sub3A_92 = arith.subi %div3A_71, %sub3A_91 : i32
      %select_n3A_93 = arith.select %and3A_90, %sub3A_92, %div3A_71 : i32
      %while3A_94 = arith.constant 0 : i32
      %while3A_95 = arith.constant 0 : i32
      %while3A_96 = arith.subi %select_n3A_93, %while3A_94 : i32
      %while3A_97 = arith.addi %while3A_94, %while3A_96 : i32
      %while3A_98 = arith.constant 1 : i32
      %while3A_99 = arith.divsi %while3A_96, %while3A_98 : i32
      %while3A_100 = arith.muli %while3A_99, %while3A_98 : i32
      %while3A_101 = arith.addi %while3A_94, %while3A_100 : i32
      %while3A_102 = arith.constant 1 : i32
      %while3A_103 = scf.for %while3A_107 = %while3A_94 to %while3A_101 step %while3A_102 iter_args(%while3A_108 = %while3A_95) -> (i32)  : i32 {
        %mul3A_109 = arith.constant 64 : i32
        %mul3A_110 = arith.muli %while3A_107, %mul3A_109 : i32
        %dma_start3A = tpu.memref_slice %arg9[%mul3A_110] : memref<4064xi32, #tpu.memory_space<vmem>> -> memref<64xi32, #tpu.memory_space<vmem>>
        %dma_start3A_111 = arith.constant 0 : i32
        %dma_start3A_112 = arith.constant 0 : i32
        %dma_start3A_113 = tpu.memref_slice %arg4[%dma_start3A_111, %dma_start3A_112] : memref<10240x128xf32, #tpu.memory_space<hbm>> -> memref<10240x128xf32, #tpu.memory_space<hbm>>
        tpu.enqueue_indirect_dma source(%dma_start3A_113 : memref<10240x128xf32, #tpu.memory_space<hbm>>) target(%arg11 : memref<64x128xf32, #tpu.memory_space<vmem>>) offsets(%dma_start3A : memref<64xi32, #tpu.memory_space<vmem>>) semaphore(%arg16 : memref<!tpu.dma_semaphore, #tpu.memory_space<semaphore_mem>>)
        %dma_wait3A = tpu.memref_slice %arg9[%mul3A_110] : memref<4064xi32, #tpu.memory_space<vmem>> -> memref<64xi32, #tpu.memory_space<vmem>>
        %dma_wait3A_114 = arith.constant 0 : i32
        %dma_wait3A_115 = arith.constant 0 : i32
        %dma_wait3A_116 = tpu.memref_slice %arg4[%dma_wait3A_114, %dma_wait3A_115] : memref<10240x128xf32, #tpu.memory_space<hbm>> -> memref<10240x128xf32, #tpu.memory_space<hbm>>
        tpu.wait_indirect_dma semaphore(%arg16 : memref<!tpu.dma_semaphore, #tpu.memory_space<semaphore_mem>>) src(%dma_wait3A_116 : memref<10240x128xf32, #tpu.memory_space<hbm>>) dst(%arg11 : memref<64x128xf32, #tpu.memory_space<vmem>>)
        %mul3A_117 = arith.constant 64 : i32
        %mul3A_118 = arith.muli %while3A_107, %mul3A_117 : i32
        %sub3A_119 = arith.subi %squeeze3A, %mul3A_118 : i32
        %min3A = arith.constant 64 : i32
        %min3A_120 = arith.minsi %min3A, %sub3A_119 : i32
        %while3A_121 = arith.constant 0 : i32
        %while3A_122 = arith.constant 0 : i32
        %while3A_123 = arith.subi %min3A_120, %while3A_121 : i32
        %while3A_124 = arith.addi %while3A_121, %while3A_123 : i32
        %while3A_125 = arith.constant 1 : i32
        %while3A_126 = arith.divsi %while3A_123, %while3A_125 : i32
        %while3A_127 = arith.muli %while3A_126, %while3A_125 : i32
        %while3A_128 = arith.addi %while3A_121, %while3A_127 : i32
        %while3A_129 = arith.constant 1 : i32
        %while3A_130 = scf.for %while3A_134 = %while3A_121 to %while3A_128 step %while3A_129 iter_args(%while3A_135 = %while3A_122) -> (i32)  : i32 {
          %mul3A_136 = arith.constant 64 : i32
          %mul3A_137 = arith.muli %while3A_107, %mul3A_136 : i32
          %add3A_138 = arith.addi %mul3A_137, %while3A_134 : i32
          %get3A_139 = arith.index_cast %add3A_138 : i32 to index
          %get3A_140 = tpu.vector_load %arg10[%get3A_139] {strides = array<i32>} : memref<4080xi32, #tpu.memory_space<vmem>>, vector<16xi32>,
          %slice3A_141 = vector.extract_strided_slice %get3A_140 {offsets = [0], sizes = [1], strides = [1]} : vector<16xi32> to vector<1xi32>
          %squeeze3A_142 = vector.extract %slice3A_141[0] : i32 from vector<1xi32>
          %get3A_143 = arith.index_cast %while3A_134 : i32 to index
          %get3A_144 = arith.constant 0 : index
          %get3A_145 = tpu.vector_load %arg11[%get3A_143, %get3A_144] {strides = array<i32>} : memref<64x128xf32, #tpu.memory_space<vmem>>, vector<16xf32>,
          %swap3A = arith.index_cast %squeeze3A_142 : i32 to index
          %swap3A_146 = arith.constant 0 : index
          %swap3A_147 = tpu.vector_load %arg15[%swap3A, %swap3A_146] {strides = array<i32>} : memref<320x128xf32, #tpu.memory_space<vmem>>, vector<16xf32>,
          tpu.vector_store %arg15[%swap3A, %swap3A_146], %get3A_145 {add = true, strides = array<i32>} : memref<320x128xf32, #tpu.memory_space<vmem>>, vector<16xf32>,
          %get3A_148 = arith.index_cast %while3A_134 : i32 to index
          %get3A_149 = arith.constant 16 : index
          %get3A_150 = tpu.vector_load %arg11[%get3A_148, %get3A_149] {strides = array<i32>} : memref<64x128xf32, #tpu.memory_space<vmem>>, vector<16xf32>,
          %swap3A_151 = arith.index_cast %squeeze3A_142 : i32 to index
          %swap3A_152 = arith.constant 16 : index
          %swap3A_153 = tpu.vector_load %arg15[%swap3A_151, %swap3A_152] {strides = array<i32>} : memref<320x128xf32, #tpu.memory_space<vmem>>, vector<16xf32>,
          tpu.vector_store %arg15[%swap3A_151, %swap3A_152], %get3A_150 {add = true, strides = array<i32>} : memref<320x128xf32, #tpu.memory_space<vmem>>, vector<16xf32>,
          %get3A_154 = arith.index_cast %while3A_134 : i32 to index
          %get3A_155 = arith.constant 32 : index
          %get3A_156 = tpu.vector_load %arg11[%get3A_154, %get3A_155] {strides = array<i32>} : memref<64x128xf32, #tpu.memory_space<vmem>>, vector<16xf32>,
          %swap3A_157 = arith.index_cast %squeeze3A_142 : i32 to index
          %swap3A_158 = arith.constant 32 : index
          %swap3A_159 = tpu.vector_load %arg15[%swap3A_157, %swap3A_158] {strides = array<i32>} : memref<320x128xf32, #tpu.memory_space<vmem>>, vector<16xf32>,
          tpu.vector_store %arg15[%swap3A_157, %swap3A_158], %get3A_156 {add = true, strides = array<i32>} : memref<320x128xf32, #tpu.memory_space<vmem>>, vector<16xf32>,
          %get3A_160 = arith.index_cast %while3A_134 : i32 to index
          %get3A_161 = arith.constant 48 : index
          %get3A_162 = tpu.vector_load %arg11[%get3A_160, %get3A_161] {strides = array<i32>} : memref<64x128xf32, #tpu.memory_space<vmem>>, vector<16xf32>,
          %swap3A_163 = arith.index_cast %squeeze3A_142 : i32 to index
          %swap3A_164 = arith.constant 48 : index
          %swap3A_165 = tpu.vector_load %arg15[%swap3A_163, %swap3A_164] {strides = array<i32>} : memref<320x128xf32, #tpu.memory_space<vmem>>, vector<16xf32>,
          tpu.vector_store %arg15[%swap3A_163, %swap3A_164], %get3A_162 {add = true, strides = array<i32>} : memref<320x128xf32, #tpu.memory_space<vmem>>, vector<16xf32>,
          %get3A_166 = arith.index_cast %while3A_134 : i32 to index
          %get3A_167 = arith.constant 64 : index
          %get3A_168 = tpu.vector_load %arg11[%get3A_166, %get3A_167] {strides = array<i32>} : memref<64x128xf32, #tpu.memory_space<vmem>>, vector<16xf32>,
          %swap3A_169 = arith.index_cast %squeeze3A_142 : i32 to index
          %swap3A_170 = arith.constant 64 : index
          %swap3A_171 = tpu.vector_load %arg15[%swap3A_169, %swap3A_170] {strides = array<i32>} : memref<320x128xf32, #tpu.memory_space<vmem>>, vector<16xf32>,
          tpu.vector_store %arg15[%swap3A_169, %swap3A_170], %get3A_168 {add = true, strides = array<i32>} : memref<320x128xf32, #tpu.memory_space<vmem>>, vector<16xf32>,
          %get3A_172 = arith.index_cast %while3A_134 : i32 to index
          %get3A_173 = arith.constant 80 : index
          %get3A_174 = tpu.vector_load %arg11[%get3A_172, %get3A_173] {strides = array<i32>} : memref<64x128xf32, #tpu.memory_space<vmem>>, vector<16xf32>,
          %swap3A_175 = arith.index_cast %squeeze3A_142 : i32 to index
          %swap3A_176 = arith.constant 80 : index
          %swap3A_177 = tpu.vector_load %arg15[%swap3A_175, %swap3A_176] {strides = array<i32>} : memref<320x128xf32, #tpu.memory_space<vmem>>, vector<16xf32>,
          tpu.vector_store %arg15[%swap3A_175, %swap3A_176], %get3A_174 {add = true, strides = array<i32>} : memref<320x128xf32, #tpu.memory_space<vmem>>, vector<16xf32>,
          %get3A_178 = arith.index_cast %while3A_134 : i32 to index
          %get3A_179 = arith.constant 96 : index
          %get3A_180 = tpu.vector_load %arg11[%get3A_178, %get3A_179] {strides = array<i32>} : memref<64x128xf32, #tpu.memory_space<vmem>>, vector<16xf32>,
          %swap3A_181 = arith.index_cast %squeeze3A_142 : i32 to index
          %swap3A_182 = arith.constant 96 : index
          %swap3A_183 = tpu.vector_load %arg15[%swap3A_181, %swap3A_182] {strides = array<i32>} : memref<320x128xf32, #tpu.memory_space<vmem>>, vector<16xf32>,
          tpu.vector_store %arg15[%swap3A_181, %swap3A_182], %get3A_180 {add = true, strides = array<i32>} : memref<320x128xf32, #tpu.memory_space<vmem>>, vector<16xf32>,
          %get3A_184 = arith.index_cast %while3A_134 : i32 to index
          %get3A_185 = arith.constant 112 : index
          %get3A_186 = tpu.vector_load %arg11[%get3A_184, %get3A_185] {strides = array<i32>} : memref<64x128xf32, #tpu.memory_space<vmem>>, vector<16xf32>,
          %swap3A_187 = arith.index_cast %squeeze3A_142 : i32 to index
          %swap3A_188 = arith.constant 112 : index
          %swap3A_189 = tpu.vector_load %arg15[%swap3A_187, %swap3A_188] {strides = array<i32>} : memref<320x128xf32, #tpu.memory_space<vmem>>, vector<16xf32>,
          tpu.vector_store %arg15[%swap3A_187, %swap3A_188], %get3A_186 {add = true, strides = array<i32>} : memref<320x128xf32, #tpu.memory_space<vmem>>, vector<16xf32>,
          %while3A_190 = arith.constant 0 : i32
          scf.yield %while3A_190 : i32
        }
        %while3A_131 = arith.constant 1 : i32
        %while3A_132 = scf.for %while3A_134 = %while3A_128 to %while3A_124 step %while3A_131 iter_args(%while3A_135 = %while3A_130) -> (i32)  : i32 {
          %mul3A_136 = arith.constant 64 : i32
          %mul3A_137 = arith.muli %while3A_107, %mul3A_136 : i32
          %add3A_138 = arith.addi %mul3A_137, %while3A_134 : i32
          %get3A_139 = arith.index_cast %add3A_138 : i32 to index
          %get3A_140 = tpu.vector_load %arg10[%get3A_139] {strides = array<i32>} : memref<4080xi32, #tpu.memory_space<vmem>>, vector<16xi32>,
          %slice3A_141 = vector.extract_strided_slice %get3A_140 {offsets = [0], sizes = [1], strides = [1]} : vector<16xi32> to vector<1xi32>
          %squeeze3A_142 = vector.extract %slice3A_141[0] : i32 from vector<1xi32>
          %get3A_143 = arith.index_cast %while3A_134 : i32 to index
          %get3A_144 = arith.constant 0 : index
          %get3A_145 = tpu.vector_load %arg11[%get3A_143, %get3A_144] {strides = array<i32>} : memref<64x128xf32, #tpu.memory_space<vmem>>, vector<16xf32>,
          %swap3A = arith.index_cast %squeeze3A_142 : i32 to index
          %swap3A_146 = arith.constant 0 : index
          %swap3A_147 = tpu.vector_load %arg15[%swap3A, %swap3A_146] {strides = array<i32>} : memref<320x128xf32, #tpu.memory_space<vmem>>, vector<16xf32>,
          tpu.vector_store %arg15[%swap3A, %swap3A_146], %get3A_145 {add = true, strides = array<i32>} : memref<320x128xf32, #tpu.memory_space<vmem>>, vector<16xf32>,
          %get3A_148 = arith.index_cast %while3A_134 : i32 to index
          %get3A_149 = arith.constant 16 : index
          %get3A_150 = tpu.vector_load %arg11[%get3A_148, %get3A_149] {strides = array<i32>} : memref<64x128xf32, #tpu.memory_space<vmem>>, vector<16xf32>,
          %swap3A_151 = arith.index_cast %squeeze3A_142 : i32 to index
          %swap3A_152 = arith.constant 16 : index
          %swap3A_153 = tpu.vector_load %arg15[%swap3A_151, %swap3A_152] {strides = array<i32>} : memref<320x128xf32, #tpu.memory_space<vmem>>, vector<16xf32>,
          tpu.vector_store %arg15[%swap3A_151, %swap3A_152], %get3A_150 {add = true, strides = array<i32>} : memref<320x128xf32, #tpu.memory_space<vmem>>, vector<16xf32>,
          %get3A_154 = arith.index_cast %while3A_134 : i32 to index
          %get3A_155 = arith.constant 32 : index
          %get3A_156 = tpu.vector_load %arg11[%get3A_154, %get3A_155] {strides = array<i32>} : memref<64x128xf32, #tpu.memory_space<vmem>>, vector<16xf32>,
          %swap3A_157 = arith.index_cast %squeeze3A_142 : i32 to index
          %swap3A_158 = arith.constant 32 : index
          %swap3A_159 = tpu.vector_load %arg15[%swap3A_157, %swap3A_158] {strides = array<i32>} : memref<320x128xf32, #tpu.memory_space<vmem>>, vector<16xf32>,
          tpu.vector_store %arg15[%swap3A_157, %swap3A_158], %get3A_156 {add = true, strides = array<i32>} : memref<320x128xf32, #tpu.memory_space<vmem>>, vector<16xf32>,
          %get3A_160 = arith.index_cast %while3A_134 : i32 to index
          %get3A_161 = arith.constant 48 : index
          %get3A_162 = tpu.vector_load %arg11[%get3A_160, %get3A_161] {strides = array<i32>} : memref<64x128xf32, #tpu.memory_space<vmem>>, vector<16xf32>,
          %swap3A_163 = arith.index_cast %squeeze3A_142 : i32 to index
          %swap3A_164 = arith.constant 48 : index
          %swap3A_165 = tpu.vector_load %arg15[%swap3A_163, %swap3A_164] {strides = array<i32>} : memref<320x128xf32, #tpu.memory_space<vmem>>, vector<16xf32>,
          tpu.vector_store %arg15[%swap3A_163, %swap3A_164], %get3A_162 {add = true, strides = array<i32>} : memref<320x128xf32, #tpu.memory_space<vmem>>, vector<16xf32>,
          %get3A_166 = arith.index_cast %while3A_134 : i32 to index
          %get3A_167 = arith.constant 64 : index
          %get3A_168 = tpu.vector_load %arg11[%get3A_166, %get3A_167] {strides = array<i32>} : memref<64x128xf32, #tpu.memory_space<vmem>>, vector<16xf32>,
          %swap3A_169 = arith.index_cast %squeeze3A_142 : i32 to index
          %swap3A_170 = arith.constant 64 : index
          %swap3A_171 = tpu.vector_load %arg15[%swap3A_169, %swap3A_170] {strides = array<i32>} : memref<320x128xf32, #tpu.memory_space<vmem>>, vector<16xf32>,
          tpu.vector_store %arg15[%swap3A_169, %swap3A_170], %get3A_168 {add = true, strides = array<i32>} : memref<320x128xf32, #tpu.memory_space<vmem>>, vector<16xf32>,
          %get3A_172 = arith.index_cast %while3A_134 : i32 to index
          %get3A_173 = arith.constant 80 : index
          %get3A_174 = tpu.vector_load %arg11[%get3A_172, %get3A_173] {strides = array<i32>} : memref<64x128xf32, #tpu.memory_space<vmem>>, vector<16xf32>,
          %swap3A_175 = arith.index_cast %squeeze3A_142 : i32 to index
          %swap3A_176 = arith.constant 80 : index
          %swap3A_177 = tpu.vector_load %arg15[%swap3A_175, %swap3A_176] {strides = array<i32>} : memref<320x128xf32, #tpu.memory_space<vmem>>, vector<16xf32>,
          tpu.vector_store %arg15[%swap3A_175, %swap3A_176], %get3A_174 {add = true, strides = array<i32>} : memref<320x128xf32, #tpu.memory_space<vmem>>, vector<16xf32>,
          %get3A_178 = arith.index_cast %while3A_134 : i32 to index
          %get3A_179 = arith.constant 96 : index
          %get3A_180 = tpu.vector_load %arg11[%get3A_178, %get3A_179] {strides = array<i32>} : memref<64x128xf32, #tpu.memory_space<vmem>>, vector<16xf32>,
          %swap3A_181 = arith.index_cast %squeeze3A_142 : i32 to index
          %swap3A_182 = arith.constant 96 : index
          %swap3A_183 = tpu.vector_load %arg15[%swap3A_181, %swap3A_182] {strides = array<i32>} : memref<320x128xf32, #tpu.memory_space<vmem>>, vector<16xf32>,
          tpu.vector_store %arg15[%swap3A_181, %swap3A_182], %get3A_180 {add = true, strides = array<i32>} : memref<320x128xf32, #tpu.memory_space<vmem>>, vector<16xf32>,
          %get3A_184 = arith.index_cast %while3A_134 : i32 to index
          %get3A_185 = arith.constant 112 : index
          %get3A_186 = tpu.vector_load %arg11[%get3A_184, %get3A_185] {strides = array<i32>} : memref<64x128xf32, #tpu.memory_space<vmem>>, vector<16xf32>,
          %swap3A_187 = arith.index_cast %squeeze3A_142 : i32 to index
          %swap3A_188 = arith.constant 112 : index
          %swap3A_189 = tpu.vector_load %arg15[%swap3A_187, %swap3A_188] {strides = array<i32>} : memref<320x128xf32, #tpu.memory_space<vmem>>, vector<16xf32>,
          tpu.vector_store %arg15[%swap3A_187, %swap3A_188], %get3A_186 {add = true, strides = array<i32>} : memref<320x128xf32, #tpu.memory_space<vmem>>, vector<16xf32>,
          %while3A_190 = arith.constant 0 : i32
          scf.yield %while3A_190 : i32
        }
        %while3A_133 = arith.constant 0 : i32
        scf.yield %while3A_133 : i32
      }
      %while3A_104 = arith.constant 1 : i32
      %while3A_105 = scf.for %while3A_107 = %while3A_101 to %while3A_97 step %while3A_104 iter_args(%while3A_108 = %while3A_103) -> (i32)  : i32 {
        %mul3A_109 = arith.constant 64 : i32
        %mul3A_110 = arith.muli %while3A_107, %mul3A_109 : i32
        %dma_start3A = tpu.memref_slice %arg9[%mul3A_110] : memref<4064xi32, #tpu.memory_space<vmem>> -> memref<64xi32, #tpu.memory_space<vmem>>
        %dma_start3A_111 = arith.constant 0 : i32
        %dma_start3A_112 = arith.constant 0 : i32
        %dma_start3A_113 = tpu.memref_slice %arg4[%dma_start3A_111, %dma_start3A_112] : memref<10240x128xf32, #tpu.memory_space<hbm>> -> memref<10240x128xf32, #tpu.memory_space<hbm>>
        tpu.enqueue_indirect_dma source(%dma_start3A_113 : memref<10240x128xf32, #tpu.memory_space<hbm>>) target(%arg11 : memref<64x128xf32, #tpu.memory_space<vmem>>) offsets(%dma_start3A : memref<64xi32, #tpu.memory_space<vmem>>) semaphore(%arg16 : memref<!tpu.dma_semaphore, #tpu.memory_space<semaphore_mem>>)
        %dma_wait3A = tpu.memref_slice %arg9[%mul3A_110] : memref<4064xi32, #tpu.memory_space<vmem>> -> memref<64xi32, #tpu.memory_space<vmem>>
        %dma_wait3A_114 = arith.constant 0 : i32
        %dma_wait3A_115 = arith.constant 0 : i32
        %dma_wait3A_116 = tpu.memref_slice %arg4[%dma_wait3A_114, %dma_wait3A_115] : memref<10240x128xf32, #tpu.memory_space<hbm>> -> memref<10240x128xf32, #tpu.memory_space<hbm>>
        tpu.wait_indirect_dma semaphore(%arg16 : memref<!tpu.dma_semaphore, #tpu.memory_space<semaphore_mem>>) src(%dma_wait3A_116 : memref<10240x128xf32, #tpu.memory_space<hbm>>) dst(%arg11 : memref<64x128xf32, #tpu.memory_space<vmem>>)
        %mul3A_117 = arith.constant 64 : i32
        %mul3A_118 = arith.muli %while3A_107, %mul3A_117 : i32
        %sub3A_119 = arith.subi %squeeze3A, %mul3A_118 : i32
        %min3A = arith.constant 64 : i32
        %min3A_120 = arith.minsi %min3A, %sub3A_119 : i32
        %while3A_121 = arith.constant 0 : i32
        %while3A_122 = arith.constant 0 : i32
        %while3A_123 = arith.subi %min3A_120, %while3A_121 : i32
        %while3A_124 = arith.addi %while3A_121, %while3A_123 : i32
        %while3A_125 = arith.constant 1 : i32
        %while3A_126 = arith.divsi %while3A_123, %while3A_125 : i32
        %while3A_127 = arith.muli %while3A_126, %while3A_125 : i32
        %while3A_128 = arith.addi %while3A_121, %while3A_127 : i32
        %while3A_129 = arith.constant 1 : i32
        %while3A_130 = scf.for %while3A_134 = %while3A_121 to %while3A_128 step %while3A_129 iter_args(%while3A_135 = %while3A_122) -> (i32)  : i32 {
          %mul3A_136 = arith.constant 64 : i32
          %mul3A_137 = arith.muli %while3A_107, %mul3A_136 : i32
          %add3A_138 = arith.addi %mul3A_137, %while3A_134 : i32
          %get3A_139 = arith.index_cast %add3A_138 : i32 to index
          %get3A_140 = tpu.vector_load %arg10[%get3A_139] {strides = array<i32>} : memref<4080xi32, #tpu.memory_space<vmem>>, vector<16xi32>,
          %slice3A_141 = vector.extract_strided_slice %get3A_140 {offsets = [0], sizes = [1], strides = [1]} : vector<16xi32> to vector<1xi32>
          %squeeze3A_142 = vector.extract %slice3A_141[0] : i32 from vector<1xi32>
          %get3A_143 = arith.index_cast %while3A_134 : i32 to index
          %get3A_144 = arith.constant 0 : index
          %get3A_145 = tpu.vector_load %arg11[%get3A_143, %get3A_144] {strides = array<i32>} : memref<64x128xf32, #tpu.memory_space<vmem>>, vector<16xf32>,
          %swap3A = arith.index_cast %squeeze3A_142 : i32 to index
          %swap3A_146 = arith.constant 0 : index
          %swap3A_147 = tpu.vector_load %arg15[%swap3A, %swap3A_146] {strides = array<i32>} : memref<320x128xf32, #tpu.memory_space<vmem>>, vector<16xf32>,
          tpu.vector_store %arg15[%swap3A, %swap3A_146], %get3A_145 {add = true, strides = array<i32>} : memref<320x128xf32, #tpu.memory_space<vmem>>, vector<16xf32>,
          %get3A_148 = arith.index_cast %while3A_134 : i32 to index
          %get3A_149 = arith.constant 16 : index
          %get3A_150 = tpu.vector_load %arg11[%get3A_148, %get3A_149] {strides = array<i32>} : memref<64x128xf32, #tpu.memory_space<vmem>>, vector<16xf32>,
          %swap3A_151 = arith.index_cast %squeeze3A_142 : i32 to index
          %swap3A_152 = arith.constant 16 : index
          %swap3A_153 = tpu.vector_load %arg15[%swap3A_151, %swap3A_152] {strides = array<i32>} : memref<320x128xf32, #tpu.memory_space<vmem>>, vector<16xf32>,
          tpu.vector_store %arg15[%swap3A_151, %swap3A_152], %get3A_150 {add = true, strides = array<i32>} : memref<320x128xf32, #tpu.memory_space<vmem>>, vector<16xf32>,
          %get3A_154 = arith.index_cast %while3A_134 : i32 to index
          %get3A_155 = arith.constant 32 : index
          %get3A_156 = tpu.vector_load %arg11[%get3A_154, %get3A_155] {strides = array<i32>} : memref<64x128xf32, #tpu.memory_space<vmem>>, vector<16xf32>,
          %swap3A_157 = arith.index_cast %squeeze3A_142 : i32 to index
          %swap3A_158 = arith.constant 32 : index
          %swap3A_159 = tpu.vector_load %arg15[%swap3A_157, %swap3A_158] {strides = array<i32>} : memref<320x128xf32, #tpu.memory_space<vmem>>, vector<16xf32>,
          tpu.vector_store %arg15[%swap3A_157, %swap3A_158], %get3A_156 {add = true, strides = array<i32>} : memref<320x128xf32, #tpu.memory_space<vmem>>, vector<16xf32>,
          %get3A_160 = arith.index_cast %while3A_134 : i32 to index
          %get3A_161 = arith.constant 48 : index
          %get3A_162 = tpu.vector_load %arg11[%get3A_160, %get3A_161] {strides = array<i32>} : memref<64x128xf32, #tpu.memory_space<vmem>>, vector<16xf32>,
          %swap3A_163 = arith.index_cast %squeeze3A_142 : i32 to index
          %swap3A_164 = arith.constant 48 : index
          %swap3A_165 = tpu.vector_load %arg15[%swap3A_163, %swap3A_164] {strides = array<i32>} : memref<320x128xf32, #tpu.memory_space<vmem>>, vector<16xf32>,
          tpu.vector_store %arg15[%swap3A_163, %swap3A_164], %get3A_162 {add = true, strides = array<i32>} : memref<320x128xf32, #tpu.memory_space<vmem>>, vector<16xf32>,
          %get3A_166 = arith.index_cast %while3A_134 : i32 to index
          %get3A_167 = arith.constant 64 : index
          %get3A_168 = tpu.vector_load %arg11[%get3A_166, %get3A_167] {strides = array<i32>} : memref<64x128xf32, #tpu.memory_space<vmem>>, vector<16xf32>,
          %swap3A_169 = arith.index_cast %squeeze3A_142 : i32 to index
          %swap3A_170 = arith.constant 64 : index
          %swap3A_171 = tpu.vector_load %arg15[%swap3A_169, %swap3A_170] {strides = array<i32>} : memref<320x128xf32, #tpu.memory_space<vmem>>, vector<16xf32>,
          tpu.vector_store %arg15[%swap3A_169, %swap3A_170], %get3A_168 {add = true, strides = array<i32>} : memref<320x128xf32, #tpu.memory_space<vmem>>, vector<16xf32>,
          %get3A_172 = arith.index_cast %while3A_134 : i32 to index
          %get3A_173 = arith.constant 80 : index
          %get3A_174 = tpu.vector_load %arg11[%get3A_172, %get3A_173] {strides = array<i32>} : memref<64x128xf32, #tpu.memory_space<vmem>>, vector<16xf32>,
          %swap3A_175 = arith.index_cast %squeeze3A_142 : i32 to index
          %swap3A_176 = arith.constant 80 : index
          %swap3A_177 = tpu.vector_load %arg15[%swap3A_175, %swap3A_176] {strides = array<i32>} : memref<320x128xf32, #tpu.memory_space<vmem>>, vector<16xf32>,
          tpu.vector_store %arg15[%swap3A_175, %swap3A_176], %get3A_174 {add = true, strides = array<i32>} : memref<320x128xf32, #tpu.memory_space<vmem>>, vector<16xf32>,
          %get3A_178 = arith.index_cast %while3A_134 : i32 to index
          %get3A_179 = arith.constant 96 : index
          %get3A_180 = tpu.vector_load %arg11[%get3A_178, %get3A_179] {strides = array<i32>} : memref<64x128xf32, #tpu.memory_space<vmem>>, vector<16xf32>,
          %swap3A_181 = arith.index_cast %squeeze3A_142 : i32 to index
          %swap3A_182 = arith.constant 96 : index
          %swap3A_183 = tpu.vector_load %arg15[%swap3A_181, %swap3A_182] {strides = array<i32>} : memref<320x128xf32, #tpu.memory_space<vmem>>, vector<16xf32>,
          tpu.vector_store %arg15[%swap3A_181, %swap3A_182], %get3A_180 {add = true, strides = array<i32>} : memref<320x128xf32, #tpu.memory_space<vmem>>, vector<16xf32>,
          %get3A_184 = arith.index_cast %while3A_134 : i32 to index
          %get3A_185 = arith.constant 112 : index
          %get3A_186 = tpu.vector_load %arg11[%get3A_184, %get3A_185] {strides = array<i32>} : memref<64x128xf32, #tpu.memory_space<vmem>>, vector<16xf32>,
          %swap3A_187 = arith.index_cast %squeeze3A_142 : i32 to index
          %swap3A_188 = arith.constant 112 : index
          %swap3A_189 = tpu.vector_load %arg15[%swap3A_187, %swap3A_188] {strides = array<i32>} : memref<320x128xf32, #tpu.memory_space<vmem>>, vector<16xf32>,
          tpu.vector_store %arg15[%swap3A_187, %swap3A_188], %get3A_186 {add = true, strides = array<i32>} : memref<320x128xf32, #tpu.memory_space<vmem>>, vector<16xf32>,
          %while3A_190 = arith.constant 0 : i32
          scf.yield %while3A_190 : i32
        }
        %while3A_131 = arith.constant 1 : i32
        %while3A_132 = scf.for %while3A_134 = %while3A_128 to %while3A_124 step %while3A_131 iter_args(%while3A_135 = %while3A_130) -> (i32)  : i32 {
          %mul3A_136 = arith.constant 64 : i32
          %mul3A_137 = arith.muli %while3A_107, %mul3A_136 : i32
          %add3A_138 = arith.addi %mul3A_137, %while3A_134 : i32
          %get3A_139 = arith.index_cast %add3A_138 : i32 to index
          %get3A_140 = tpu.vector_load %arg10[%get3A_139] {strides = array<i32>} : memref<4080xi32, #tpu.memory_space<vmem>>, vector<16xi32>,
          %slice3A_141 = vector.extract_strided_slice %get3A_140 {offsets = [0], sizes = [1], strides = [1]} : vector<16xi32> to vector<1xi32>
          %squeeze3A_142 = vector.extract %slice3A_141[0] : i32 from vector<1xi32>
          %get3A_143 = arith.index_cast %while3A_134 : i32 to index
          %get3A_144 = arith.constant 0 : index
          %get3A_145 = tpu.vector_load %arg11[%get3A_143, %get3A_144] {strides = array<i32>} : memref<64x128xf32, #tpu.memory_space<vmem>>, vector<16xf32>,
          %swap3A = arith.index_cast %squeeze3A_142 : i32 to index
          %swap3A_146 = arith.constant 0 : index
          %swap3A_147 = tpu.vector_load %arg15[%swap3A, %swap3A_146] {strides = array<i32>} : memref<320x128xf32, #tpu.memory_space<vmem>>, vector<16xf32>,
          tpu.vector_store %arg15[%swap3A, %swap3A_146], %get3A_145 {add = true, strides = array<i32>} : memref<320x128xf32, #tpu.memory_space<vmem>>, vector<16xf32>,
          %get3A_148 = arith.index_cast %while3A_134 : i32 to index
          %get3A_149 = arith.constant 16 : index
          %get3A_150 = tpu.vector_load %arg11[%get3A_148, %get3A_149] {strides = array<i32>} : memref<64x128xf32, #tpu.memory_space<vmem>>, vector<16xf32>,
          %swap3A_151 = arith.index_cast %squeeze3A_142 : i32 to index
          %swap3A_152 = arith.constant 16 : index
          %swap3A_153 = tpu.vector_load %arg15[%swap3A_151, %swap3A_152] {strides = array<i32>} : memref<320x128xf32, #tpu.memory_space<vmem>>, vector<16xf32>,
          tpu.vector_store %arg15[%swap3A_151, %swap3A_152], %get3A_150 {add = true, strides = array<i32>} : memref<320x128xf32, #tpu.memory_space<vmem>>, vector<16xf32>,
          %get3A_154 = arith.index_cast %while3A_134 : i32 to index
          %get3A_155 = arith.constant 32 : index
          %get3A_156 = tpu.vector_load %arg11[%get3A_154, %get3A_155] {strides = array<i32>} : memref<64x128xf32, #tpu.memory_space<vmem>>, vector<16xf32>,
          %swap3A_157 = arith.index_cast %squeeze3A_142 : i32 to index
          %swap3A_158 = arith.constant 32 : index
          %swap3A_159 = tpu.vector_load %arg15[%swap3A_157, %swap3A_158] {strides = array<i32>} : memref<320x128xf32, #tpu.memory_space<vmem>>, vector<16xf32>,
          tpu.vector_store %arg15[%swap3A_157, %swap3A_158], %get3A_156 {add = true, strides = array<i32>} : memref<320x128xf32, #tpu.memory_space<vmem>>, vector<16xf32>,
          %get3A_160 = arith.index_cast %while3A_134 : i32 to index
          %get3A_161 = arith.constant 48 : index
          %get3A_162 = tpu.vector_load %arg11[%get3A_160, %get3A_161] {strides = array<i32>} : memref<64x128xf32, #tpu.memory_space<vmem>>, vector<16xf32>,
          %swap3A_163 = arith.index_cast %squeeze3A_142 : i32 to index
          %swap3A_164 = arith.constant 48 : index
          %swap3A_165 = tpu.vector_load %arg15[%swap3A_163, %swap3A_164] {strides = array<i32>} : memref<320x128xf32, #tpu.memory_space<vmem>>, vector<16xf32>,
          tpu.vector_store %arg15[%swap3A_163, %swap3A_164], %get3A_162 {add = true, strides = array<i32>} : memref<320x128xf32, #tpu.memory_space<vmem>>, vector<16xf32>,
          %get3A_166 = arith.index_cast %while3A_134 : i32 to index
          %get3A_167 = arith.constant 64 : index
          %get3A_168 = tpu.vector_load %arg11[%get3A_166, %get3A_167] {strides = array<i32>} : memref<64x128xf32, #tpu.memory_space<vmem>>, vector<16xf32>,
          %swap3A_169 = arith.index_cast %squeeze3A_142 : i32 to index
          %swap3A_170 = arith.constant 64 : index
          %swap3A_171 = tpu.vector_load %arg15[%swap3A_169, %swap3A_170] {strides = array<i32>} : memref<320x128xf32, #tpu.memory_space<vmem>>, vector<16xf32>,
          tpu.vector_store %arg15[%swap3A_169, %swap3A_170], %get3A_168 {add = true, strides = array<i32>} : memref<320x128xf32, #tpu.memory_space<vmem>>, vector<16xf32>,
          %get3A_172 = arith.index_cast %while3A_134 : i32 to index
          %get3A_173 = arith.constant 80 : index
          %get3A_174 = tpu.vector_load %arg11[%get3A_172, %get3A_173] {strides = array<i32>} : memref<64x128xf32, #tpu.memory_space<vmem>>, vector<16xf32>,
          %swap3A_175 = arith.index_cast %squeeze3A_142 : i32 to index
          %swap3A_176 = arith.constant 80 : index
          %swap3A_177 = tpu.vector_load %arg15[%swap3A_175, %swap3A_176] {strides = array<i32>} : memref<320x128xf32, #tpu.memory_space<vmem>>, vector<16xf32>,
          tpu.vector_store %arg15[%swap3A_175, %swap3A_176], %get3A_174 {add = true, strides = array<i32>} : memref<320x128xf32, #tpu.memory_space<vmem>>, vector<16xf32>,
          %get3A_178 = arith.index_cast %while3A_134 : i32 to index
          %get3A_179 = arith.constant 96 : index
          %get3A_180 = tpu.vector_load %arg11[%get3A_178, %get3A_179] {strides = array<i32>} : memref<64x128xf32, #tpu.memory_space<vmem>>, vector<16xf32>,
          %swap3A_181 = arith.index_cast %squeeze3A_142 : i32 to index
          %swap3A_182 = arith.constant 96 : index
          %swap3A_183 = tpu.vector_load %arg15[%swap3A_181, %swap3A_182] {strides = array<i32>} : memref<320x128xf32, #tpu.memory_space<vmem>>, vector<16xf32>,
          tpu.vector_store %arg15[%swap3A_181, %swap3A_182], %get3A_180 {add = true, strides = array<i32>} : memref<320x128xf32, #tpu.memory_space<vmem>>, vector<16xf32>,
          %get3A_184 = arith.index_cast %while3A_134 : i32 to index
          %get3A_185 = arith.constant 112 : index
          %get3A_186 = tpu.vector_load %arg11[%get3A_184, %get3A_185] {strides = array<i32>} : memref<64x128xf32, #tpu.memory_space<vmem>>, vector<16xf32>,
          %swap3A_187 = arith.index_cast %squeeze3A_142 : i32 to index
          %swap3A_188 = arith.constant 112 : index
          %swap3A_189 = tpu.vector_load %arg15[%swap3A_187, %swap3A_188] {strides = array<i32>} : memref<320x128xf32, #tpu.memory_space<vmem>>, vector<16xf32>,
          tpu.vector_store %arg15[%swap3A_187, %swap3A_188], %get3A_186 {add = true, strides = array<i32>} : memref<320x128xf32, #tpu.memory_space<vmem>>, vector<16xf32>,
          %while3A_190 = arith.constant 0 : i32
          scf.yield %while3A_190 : i32
        }
        %while3A_133 = arith.constant 0 : i32
        scf.yield %while3A_133 : i32
      }
      %scan3A_106 = arith.constant 0 : i32
      scf.yield %scan3A_106 : i32
    }
    %scan3A_19 = arith.constant 80 : i32
    %scan3A_20 = arith.constant 0 : i32
    %scan3A_21 = arith.constant 0 : i32
    %scan3A_22 = arith.constant 5 : i32
    %scan3A_23 = arith.addi %scan3A_21, %scan3A_22 : i32
    %scan3A_24 = arith.constant 1 : i32
    %scan3A_25 = scf.for %scan3A_27 = %scan3A_21 to %scan3A_23 step %scan3A_24 iter_args(%scan3A_28 = %scan3A_20) -> (i32)  : i32 {
      %mul3A_29 = arith.constant 64 : i32
      %mul3A_30 = arith.muli %scan3A_27, %mul3A_29 : i32
      %add3A_31 = arith.addi %mul3A_2, %mul3A_30 : i32
      "tpu.region"() ({
        %run_scoped3A = tpu.sem_alloc : memref<!tpu.dma_semaphore, #tpu.memory_space<semaphore_mem>>
        %dma_start3A = arith.constant 0 : i32
        %dma_start3A_40 = tpu.memref_slice %arg4[%add3A_31, %dma_start3A] : memref<10240x128xf32, #tpu.memory_space<hbm>> -> memref<64x128xf32, #tpu.memory_space<hbm>>
        %dma_start3A_41 = arith.constant 0 : i32
        %dma_start3A_42 = tpu.memref_slice %arg4[%add3A_31, %dma_start3A_41] : memref<10240x128xf32, #tpu.memory_space<hbm>> -> memref<64x128xf32, #tpu.memory_space<hbm>>
        tpu.enqueue_dma source(%dma_start3A_42 : memref<64x128xf32, #tpu.memory_space<hbm>>) target(%arg11 : memref<64x128xf32, #tpu.memory_space<vmem>>) target_semaphore(%run_scoped3A : memref<!tpu.dma_semaphore, #tpu.memory_space<semaphore_mem>>)
        %dma_wait3A = arith.constant 0 : i32
        %dma_wait3A_43 = tpu.memref_slice %arg4[%add3A_31, %dma_wait3A] : memref<10240x128xf32, #tpu.memory_space<hbm>> -> memref<64x128xf32, #tpu.memory_space<hbm>>
        %dma_wait3A_44 = arith.constant 0 : i32
        %dma_wait3A_45 = tpu.memref_slice %arg4[%add3A_31, %dma_wait3A_44] : memref<10240x128xf32, #tpu.memory_space<hbm>> -> memref<64x128xf32, #tpu.memory_space<hbm>>
        tpu.wait_dma2 semaphore(%run_scoped3A : memref<!tpu.dma_semaphore, #tpu.memory_space<semaphore_mem>>) src(%dma_wait3A_45 : memref<64x128xf32, #tpu.memory_space<hbm>>) dst(%arg11 : memref<64x128xf32, #tpu.memory_space<vmem>>)
        tpu.yield
      }) : () -> ()
      %scan3A_32 = arith.constant 0 : i32
      %scan3A_33 = arith.constant 0 : i32
      %scan3A_34 = arith.constant 64 : i32
      %scan3A_35 = arith.addi %scan3A_33, %scan3A_34 : i32
      %scan3A_36 = arith.constant 1 : i32
      %scan3A_37 = scf.for %scan3A_40 = %scan3A_33 to %scan3A_35 step %scan3A_36 iter_args(%scan3A_41 = %scan3A_32) -> (i32)  : i32 {
        %mul3A_42 = arith.constant 64 : i32
        %mul3A_43 = arith.muli %scan3A_27, %mul3A_42 : i32
        %add3A_44 = arith.addi %mul3A_43, %scan3A_40 : i32
        %get3A = arith.index_cast %add3A_44 : i32 to index
        %get3A_45 = tpu.vector_load %arg13[%get3A] {strides = array<i32>} : memref<336xf32, #tpu.memory_space<vmem>>, vector<16xf32>,
        %slice3A = vector.extract_strided_slice %get3A_45 {offsets = [0], sizes = [1], strides = [1]} : vector<16xf32> to vector<1xf32>
        %squeeze3A = vector.extract %slice3A[0] : f32 from vector<1xf32>
        %get3A_46 = arith.index_cast %add3A_44 : i32 to index
        %get3A_47 = arith.constant 0 : index
        %get3A_48 = tpu.vector_load %arg15[%get3A_46, %get3A_47] {strides = array<i32>} : memref<320x128xf32, #tpu.memory_space<vmem>>, vector<16xf32>,
        %get3A_49 = arith.index_cast %scan3A_40 : i32 to index
        %get3A_50 = arith.constant 0 : index
        %get3A_51 = tpu.vector_load %arg11[%get3A_49, %get3A_50] {strides = array<i32>} : memref<64x128xf32, #tpu.memory_space<vmem>>, vector<16xf32>,
        %add3A_52 = arith.addf %get3A_48, %get3A_51 : vector<16xf32>
        %mul3A_53 = vector.broadcast %squeeze3A : f32 to vector<16xf32>
        %mul3A_54 = arith.mulf %add3A_52, %mul3A_53 : vector<16xf32>
        %get3A_55 = arith.constant 0 : index
        %get3A_56 = tpu.vector_load %arg14[%get3A_55] {strides = array<i32>} : memref<128xf32, #tpu.memory_space<vmem>>, vector<16xf32>,
        %add3A_57 = arith.addf %mul3A_54, %get3A_56 : vector<16xf32>
        %max3A = arith.constant 0.000000e+00 : f32
        %max3A_58 = vector.broadcast %max3A : f32 to vector<16xf32>
        %max3A_59 = arith.maximumf %add3A_57, %max3A_58 : vector<16xf32>
        %min3A = arith.constant 0.000000e+00 : f32
        %min3A_60 = vector.broadcast %min3A : f32 to vector<16xf32>
        %min3A_61 = arith.minimumf %add3A_57, %min3A_60 : vector<16xf32>
        %mul3A_62 = arith.constant 2.000000e-01 : f32
        %mul3A_63 = vector.broadcast %mul3A_62 : f32 to vector<16xf32>
        %mul3A_64 = arith.mulf %mul3A_63, %min3A_61 : vector<16xf32>
        %add3A_65 = arith.addf %max3A_59, %mul3A_64 : vector<16xf32>
        %swap3A = arith.index_cast %add3A_44 : i32 to index
        %swap3A_66 = arith.constant 0 : index
        %swap3A_67 = tpu.vector_load %arg15[%swap3A, %swap3A_66] {strides = array<i32>} : memref<320x128xf32, #tpu.memory_space<vmem>>, vector<16xf32>,
        tpu.vector_store %arg15[%swap3A, %swap3A_66], %add3A_65 {strides = array<i32>} : memref<320x128xf32, #tpu.memory_space<vmem>>, vector<16xf32>,
        %get3A_68 = arith.index_cast %add3A_44 : i32 to index
        %get3A_69 = arith.constant 16 : index
        %get3A_70 = tpu.vector_load %arg15[%get3A_68, %get3A_69] {strides = array<i32>} : memref<320x128xf32, #tpu.memory_space<vmem>>, vector<16xf32>,
        %get3A_71 = arith.index_cast %scan3A_40 : i32 to index
        %get3A_72 = arith.constant 16 : index
        %get3A_73 = tpu.vector_load %arg11[%get3A_71, %get3A_72] {strides = array<i32>} : memref<64x128xf32, #tpu.memory_space<vmem>>, vector<16xf32>,
        %add3A_74 = arith.addf %get3A_70, %get3A_73 : vector<16xf32>
        %mul3A_75 = vector.broadcast %squeeze3A : f32 to vector<16xf32>
        %mul3A_76 = arith.mulf %add3A_74, %mul3A_75 : vector<16xf32>
        %get3A_77 = arith.constant 16 : index
        %get3A_78 = tpu.vector_load %arg14[%get3A_77] {strides = array<i32>} : memref<128xf32, #tpu.memory_space<vmem>>, vector<16xf32>,
        %add3A_79 = arith.addf %mul3A_76, %get3A_78 : vector<16xf32>
        %max3A_80 = arith.constant 0.000000e+00 : f32
        %max3A_81 = vector.broadcast %max3A_80 : f32 to vector<16xf32>
        %max3A_82 = arith.maximumf %add3A_79, %max3A_81 : vector<16xf32>
        %min3A_83 = arith.constant 0.000000e+00 : f32
        %min3A_84 = vector.broadcast %min3A_83 : f32 to vector<16xf32>
        %min3A_85 = arith.minimumf %add3A_79, %min3A_84 : vector<16xf32>
        %mul3A_86 = arith.constant 2.000000e-01 : f32
        %mul3A_87 = vector.broadcast %mul3A_86 : f32 to vector<16xf32>
        %mul3A_88 = arith.mulf %mul3A_87, %min3A_85 : vector<16xf32>
        %add3A_89 = arith.addf %max3A_82, %mul3A_88 : vector<16xf32>
        %swap3A_90 = arith.index_cast %add3A_44 : i32 to index
        %swap3A_91 = arith.constant 16 : index
        %swap3A_92 = tpu.vector_load %arg15[%swap3A_90, %swap3A_91] {strides = array<i32>} : memref<320x128xf32, #tpu.memory_space<vmem>>, vector<16xf32>,
        tpu.vector_store %arg15[%swap3A_90, %swap3A_91], %add3A_89 {strides = array<i32>} : memref<320x128xf32, #tpu.memory_space<vmem>>, vector<16xf32>,
        %get3A_93 = arith.index_cast %add3A_44 : i32 to index
        %get3A_94 = arith.constant 32 : index
        %get3A_95 = tpu.vector_load %arg15[%get3A_93, %get3A_94] {strides = array<i32>} : memref<320x128xf32, #tpu.memory_space<vmem>>, vector<16xf32>,
        %get3A_96 = arith.index_cast %scan3A_40 : i32 to index
        %get3A_97 = arith.constant 32 : index
        %get3A_98 = tpu.vector_load %arg11[%get3A_96, %get3A_97] {strides = array<i32>} : memref<64x128xf32, #tpu.memory_space<vmem>>, vector<16xf32>,
        %add3A_99 = arith.addf %get3A_95, %get3A_98 : vector<16xf32>
        %mul3A_100 = vector.broadcast %squeeze3A : f32 to vector<16xf32>
        %mul3A_101 = arith.mulf %add3A_99, %mul3A_100 : vector<16xf32>
        %get3A_102 = arith.constant 32 : index
        %get3A_103 = tpu.vector_load %arg14[%get3A_102] {strides = array<i32>} : memref<128xf32, #tpu.memory_space<vmem>>, vector<16xf32>,
        %add3A_104 = arith.addf %mul3A_101, %get3A_103 : vector<16xf32>
        %max3A_105 = arith.constant 0.000000e+00 : f32
        %max3A_106 = vector.broadcast %max3A_105 : f32 to vector<16xf32>
        %max3A_107 = arith.maximumf %add3A_104, %max3A_106 : vector<16xf32>
        %min3A_108 = arith.constant 0.000000e+00 : f32
        %min3A_109 = vector.broadcast %min3A_108 : f32 to vector<16xf32>
        %min3A_110 = arith.minimumf %add3A_104, %min3A_109 : vector<16xf32>
        %mul3A_111 = arith.constant 2.000000e-01 : f32
        %mul3A_112 = vector.broadcast %mul3A_111 : f32 to vector<16xf32>
        %mul3A_113 = arith.mulf %mul3A_112, %min3A_110 : vector<16xf32>
        %add3A_114 = arith.addf %max3A_107, %mul3A_113 : vector<16xf32>
        %swap3A_115 = arith.index_cast %add3A_44 : i32 to index
        %swap3A_116 = arith.constant 32 : index
        %swap3A_117 = tpu.vector_load %arg15[%swap3A_115, %swap3A_116] {strides = array<i32>} : memref<320x128xf32, #tpu.memory_space<vmem>>, vector<16xf32>,
        tpu.vector_store %arg15[%swap3A_115, %swap3A_116], %add3A_114 {strides = array<i32>} : memref<320x128xf32, #tpu.memory_space<vmem>>, vector<16xf32>,
        %get3A_118 = arith.index_cast %add3A_44 : i32 to index
        %get3A_119 = arith.constant 48 : index
        %get3A_120 = tpu.vector_load %arg15[%get3A_118, %get3A_119] {strides = array<i32>} : memref<320x128xf32, #tpu.memory_space<vmem>>, vector<16xf32>,
        %get3A_121 = arith.index_cast %scan3A_40 : i32 to index
        %get3A_122 = arith.constant 48 : index
        %get3A_123 = tpu.vector_load %arg11[%get3A_121, %get3A_122] {strides = array<i32>} : memref<64x128xf32, #tpu.memory_space<vmem>>, vector<16xf32>,
        %add3A_124 = arith.addf %get3A_120, %get3A_123 : vector<16xf32>
        %mul3A_125 = vector.broadcast %squeeze3A : f32 to vector<16xf32>
        %mul3A_126 = arith.mulf %add3A_124, %mul3A_125 : vector<16xf32>
        %get3A_127 = arith.constant 48 : index
        %get3A_128 = tpu.vector_load %arg14[%get3A_127] {strides = array<i32>} : memref<128xf32, #tpu.memory_space<vmem>>, vector<16xf32>,
        %add3A_129 = arith.addf %mul3A_126, %get3A_128 : vector<16xf32>
        %max3A_130 = arith.constant 0.000000e+00 : f32
        %max3A_131 = vector.broadcast %max3A_130 : f32 to vector<16xf32>
        %max3A_132 = arith.maximumf %add3A_129, %max3A_131 : vector<16xf32>
        %min3A_133 = arith.constant 0.000000e+00 : f32
        %min3A_134 = vector.broadcast %min3A_133 : f32 to vector<16xf32>
        %min3A_135 = arith.minimumf %add3A_129, %min3A_134 : vector<16xf32>
        %mul3A_136 = arith.constant 2.000000e-01 : f32
        %mul3A_137 = vector.broadcast %mul3A_136 : f32 to vector<16xf32>
        %mul3A_138 = arith.mulf %mul3A_137, %min3A_135 : vector<16xf32>
        %add3A_139 = arith.addf %max3A_132, %mul3A_138 : vector<16xf32>
        %swap3A_140 = arith.index_cast %add3A_44 : i32 to index
        %swap3A_141 = arith.constant 48 : index
        %swap3A_142 = tpu.vector_load %arg15[%swap3A_140, %swap3A_141] {strides = array<i32>} : memref<320x128xf32, #tpu.memory_space<vmem>>, vector<16xf32>,
        tpu.vector_store %arg15[%swap3A_140, %swap3A_141], %add3A_139 {strides = array<i32>} : memref<320x128xf32, #tpu.memory_space<vmem>>, vector<16xf32>,
        %get3A_143 = arith.index_cast %add3A_44 : i32 to index
        %get3A_144 = arith.constant 64 : index
        %get3A_145 = tpu.vector_load %arg15[%get3A_143, %get3A_144] {strides = array<i32>} : memref<320x128xf32, #tpu.memory_space<vmem>>, vector<16xf32>,
        %get3A_146 = arith.index_cast %scan3A_40 : i32 to index
        %get3A_147 = arith.constant 64 : index
        %get3A_148 = tpu.vector_load %arg11[%get3A_146, %get3A_147] {strides = array<i32>} : memref<64x128xf32, #tpu.memory_space<vmem>>, vector<16xf32>,
        %add3A_149 = arith.addf %get3A_145, %get3A_148 : vector<16xf32>
        %mul3A_150 = vector.broadcast %squeeze3A : f32 to vector<16xf32>
        %mul3A_151 = arith.mulf %add3A_149, %mul3A_150 : vector<16xf32>
        %get3A_152 = arith.constant 64 : index
        %get3A_153 = tpu.vector_load %arg14[%get3A_152] {strides = array<i32>} : memref<128xf32, #tpu.memory_space<vmem>>, vector<16xf32>,
        %add3A_154 = arith.addf %mul3A_151, %get3A_153 : vector<16xf32>
        %max3A_155 = arith.constant 0.000000e+00 : f32
        %max3A_156 = vector.broadcast %max3A_155 : f32 to vector<16xf32>
        %max3A_157 = arith.maximumf %add3A_154, %max3A_156 : vector<16xf32>
        %min3A_158 = arith.constant 0.000000e+00 : f32
        %min3A_159 = vector.broadcast %min3A_158 : f32 to vector<16xf32>
        %min3A_160 = arith.minimumf %add3A_154, %min3A_159 : vector<16xf32>
        %mul3A_161 = arith.constant 2.000000e-01 : f32
        %mul3A_162 = vector.broadcast %mul3A_161 : f32 to vector<16xf32>
        %mul3A_163 = arith.mulf %mul3A_162, %min3A_160 : vector<16xf32>
        %add3A_164 = arith.addf %max3A_157, %mul3A_163 : vector<16xf32>
        %swap3A_165 = arith.index_cast %add3A_44 : i32 to index
        %swap3A_166 = arith.constant 64 : index
        %swap3A_167 = tpu.vector_load %arg15[%swap3A_165, %swap3A_166] {strides = array<i32>} : memref<320x128xf32, #tpu.memory_space<vmem>>, vector<16xf32>,
        tpu.vector_store %arg15[%swap3A_165, %swap3A_166], %add3A_164 {strides = array<i32>} : memref<320x128xf32, #tpu.memory_space<vmem>>, vector<16xf32>,
        %get3A_168 = arith.index_cast %add3A_44 : i32 to index
        %get3A_169 = arith.constant 80 : index
        %get3A_170 = tpu.vector_load %arg15[%get3A_168, %get3A_169] {strides = array<i32>} : memref<320x128xf32, #tpu.memory_space<vmem>>, vector<16xf32>,
        %get3A_171 = arith.index_cast %scan3A_40 : i32 to index
        %get3A_172 = arith.constant 80 : index
        %get3A_173 = tpu.vector_load %arg11[%get3A_171, %get3A_172] {strides = array<i32>} : memref<64x128xf32, #tpu.memory_space<vmem>>, vector<16xf32>,
        %add3A_174 = arith.addf %get3A_170, %get3A_173 : vector<16xf32>
        %mul3A_175 = vector.broadcast %squeeze3A : f32 to vector<16xf32>
        %mul3A_176 = arith.mulf %add3A_174, %mul3A_175 : vector<16xf32>
        %get3A_177 = arith.constant 80 : index
        %get3A_178 = tpu.vector_load %arg14[%get3A_177] {strides = array<i32>} : memref<128xf32, #tpu.memory_space<vmem>>, vector<16xf32>,
        %add3A_179 = arith.addf %mul3A_176, %get3A_178 : vector<16xf32>
        %max3A_180 = arith.constant 0.000000e+00 : f32
        %max3A_181 = vector.broadcast %max3A_180 : f32 to vector<16xf32>
        %max3A_182 = arith.maximumf %add3A_179, %max3A_181 : vector<16xf32>
        %min3A_183 = arith.constant 0.000000e+00 : f32
        %min3A_184 = vector.broadcast %min3A_183 : f32 to vector<16xf32>
        %min3A_185 = arith.minimumf %add3A_179, %min3A_184 : vector<16xf32>
        %mul3A_186 = arith.constant 2.000000e-01 : f32
        %mul3A_187 = vector.broadcast %mul3A_186 : f32 to vector<16xf32>
        %mul3A_188 = arith.mulf %mul3A_187, %min3A_185 : vector<16xf32>
        %add3A_189 = arith.addf %max3A_182, %mul3A_188 : vector<16xf32>
        %swap3A_190 = arith.index_cast %add3A_44 : i32 to index
        %swap3A_191 = arith.constant 80 : index
        %swap3A_192 = tpu.vector_load %arg15[%swap3A_190, %swap3A_191] {strides = array<i32>} : memref<320x128xf32, #tpu.memory_space<vmem>>, vector<16xf32>,
        tpu.vector_store %arg15[%swap3A_190, %swap3A_191], %add3A_189 {strides = array<i32>} : memref<320x128xf32, #tpu.memory_space<vmem>>, vector<16xf32>,
        %get3A_193 = arith.index_cast %add3A_44 : i32 to index
        %get3A_194 = arith.constant 96 : index
        %get3A_195 = tpu.vector_load %arg15[%get3A_193, %get3A_194] {strides = array<i32>} : memref<320x128xf32, #tpu.memory_space<vmem>>, vector<16xf32>,
        %get3A_196 = arith.index_cast %scan3A_40 : i32 to index
        %get3A_197 = arith.constant 96 : index
        %get3A_198 = tpu.vector_load %arg11[%get3A_196, %get3A_197] {strides = array<i32>} : memref<64x128xf32, #tpu.memory_space<vmem>>, vector<16xf32>,
        %add3A_199 = arith.addf %get3A_195, %get3A_198 : vector<16xf32>
        %mul3A_200 = vector.broadcast %squeeze3A : f32 to vector<16xf32>
        %mul3A_201 = arith.mulf %add3A_199, %mul3A_200 : vector<16xf32>
        %get3A_202 = arith.constant 96 : index
        %get3A_203 = tpu.vector_load %arg14[%get3A_202] {strides = array<i32>} : memref<128xf32, #tpu.memory_space<vmem>>, vector<16xf32>,
        %add3A_204 = arith.addf %mul3A_201, %get3A_203 : vector<16xf32>
        %max3A_205 = arith.constant 0.000000e+00 : f32
        %max3A_206 = vector.broadcast %max3A_205 : f32 to vector<16xf32>
        %max3A_207 = arith.maximumf %add3A_204, %max3A_206 : vector<16xf32>
        %min3A_208 = arith.constant 0.000000e+00 : f32
        %min3A_209 = vector.broadcast %min3A_208 : f32 to vector<16xf32>
        %min3A_210 = arith.minimumf %add3A_204, %min3A_209 : vector<16xf32>
        %mul3A_211 = arith.constant 2.000000e-01 : f32
        %mul3A_212 = vector.broadcast %mul3A_211 : f32 to vector<16xf32>
        %mul3A_213 = arith.mulf %mul3A_212, %min3A_210 : vector<16xf32>
        %add3A_214 = arith.addf %max3A_207, %mul3A_213 : vector<16xf32>
        %swap3A_215 = arith.index_cast %add3A_44 : i32 to index
        %swap3A_216 = arith.constant 96 : index
        %swap3A_217 = tpu.vector_load %arg15[%swap3A_215, %swap3A_216] {strides = array<i32>} : memref<320x128xf32, #tpu.memory_space<vmem>>, vector<16xf32>,
        tpu.vector_store %arg15[%swap3A_215, %swap3A_216], %add3A_214 {strides = array<i32>} : memref<320x128xf32, #tpu.memory_space<vmem>>, vector<16xf32>,
        %get3A_218 = arith.index_cast %add3A_44 : i32 to index
        %get3A_219 = arith.constant 112 : index
        %get3A_220 = tpu.vector_load %arg15[%get3A_218, %get3A_219] {strides = array<i32>} : memref<320x128xf32, #tpu.memory_space<vmem>>, vector<16xf32>,
        %get3A_221 = arith.index_cast %scan3A_40 : i32 to index
        %get3A_222 = arith.constant 112 : index
        %get3A_223 = tpu.vector_load %arg11[%get3A_221, %get3A_222] {strides = array<i32>} : memref<64x128xf32, #tpu.memory_space<vmem>>, vector<16xf32>,
        %add3A_224 = arith.addf %get3A_220, %get3A_223 : vector<16xf32>
        %mul3A_225 = vector.broadcast %squeeze3A : f32 to vector<16xf32>
        %mul3A_226 = arith.mulf %add3A_224, %mul3A_225 : vector<16xf32>
        %get3A_227 = arith.constant 112 : index
        %get3A_228 = tpu.vector_load %arg14[%get3A_227] {strides = array<i32>} : memref<128xf32, #tpu.memory_space<vmem>>, vector<16xf32>,
        %add3A_229 = arith.addf %mul3A_226, %get3A_228 : vector<16xf32>
        %max3A_230 = arith.constant 0.000000e+00 : f32
        %max3A_231 = vector.broadcast %max3A_230 : f32 to vector<16xf32>
        %max3A_232 = arith.maximumf %add3A_229, %max3A_231 : vector<16xf32>
        %min3A_233 = arith.constant 0.000000e+00 : f32
        %min3A_234 = vector.broadcast %min3A_233 : f32 to vector<16xf32>
        %min3A_235 = arith.minimumf %add3A_229, %min3A_234 : vector<16xf32>
        %mul3A_236 = arith.constant 2.000000e-01 : f32
        %mul3A_237 = vector.broadcast %mul3A_236 : f32 to vector<16xf32>
        %mul3A_238 = arith.mulf %mul3A_237, %min3A_235 : vector<16xf32>
        %add3A_239 = arith.addf %max3A_232, %mul3A_238 : vector<16xf32>
        %swap3A_240 = arith.index_cast %add3A_44 : i32 to index
        %swap3A_241 = arith.constant 112 : index
        %swap3A_242 = tpu.vector_load %arg15[%swap3A_240, %swap3A_241] {strides = array<i32>} : memref<320x128xf32, #tpu.memory_space<vmem>>, vector<16xf32>,
        tpu.vector_store %arg15[%swap3A_240, %swap3A_241], %add3A_239 {strides = array<i32>} : memref<320x128xf32, #tpu.memory_space<vmem>>, vector<16xf32>,
        %scan3A_243 = arith.constant 0 : i32
        scf.yield %scan3A_243 : i32
      }
      %scan3A_38 = arith.constant 64 : i32
      %scan3A_39 = arith.constant 0 : i32
      scf.yield %scan3A_39 : i32
    }
    %scan3A_26 = arith.constant 5 : i32
    "tpu.region"() ({
      %run_scoped3A = tpu.sem_alloc : memref<!tpu.dma_semaphore, #tpu.memory_space<semaphore_mem>>
      %dma_start3A = arith.constant 0 : i32
      %dma_start3A_27 = tpu.memref_slice %arg7[%mul3A_2, %dma_start3A] : memref<10240x128xf32, #tpu.memory_space<hbm>> -> memref<320x128xf32, #tpu.memory_space<hbm>>
      %dma_start3A_28 = arith.constant 0 : i32
      %dma_start3A_29 = tpu.memref_slice %arg7[%mul3A_2, %dma_start3A_28] : memref<10240x128xf32, #tpu.memory_space<hbm>> -> memref<320x128xf32, #tpu.memory_space<hbm>>
      tpu.enqueue_dma source(%arg15 : memref<320x128xf32, #tpu.memory_space<vmem>>) target(%dma_start3A_29 : memref<320x128xf32, #tpu.memory_space<hbm>>) target_semaphore(%run_scoped3A : memref<!tpu.dma_semaphore, #tpu.memory_space<semaphore_mem>>)
      %dma_wait3A = arith.constant 0 : i32
      %dma_wait3A_30 = tpu.memref_slice %arg7[%mul3A_2, %dma_wait3A] : memref<10240x128xf32, #tpu.memory_space<hbm>> -> memref<320x128xf32, #tpu.memory_space<hbm>>
      %dma_wait3A_31 = arith.constant 0 : i32
      %dma_wait3A_32 = tpu.memref_slice %arg7[%mul3A_2, %dma_wait3A_31] : memref<10240x128xf32, #tpu.memory_space<hbm>> -> memref<320x128xf32, #tpu.memory_space<hbm>>
      tpu.wait_dma2 semaphore(%run_scoped3A : memref<!tpu.dma_semaphore, #tpu.memory_space<semaphore_mem>>) src(%arg15 : memref<320x128xf32, #tpu.memory_space<vmem>>) dst(%dma_wait3A_32 : memref<320x128xf32, #tpu.memory_space<hbm>>)
      tpu.yield
    }) : () -> ()
    return
  }
}

module attributes {stable_mosaic.version = 14 : i64} {
  func.func @_mm_body(%arg0: i32, %arg1: memref<1280x128xf32, #tpu.memory_space<vmem>>, %arg2: memref<128x128xf32, #tpu.memory_space<vmem>>, %arg3: memref<1x1x1280xf32, #tpu.memory_space<vmem>>, %arg4: memref<1280x128xf32, #tpu.memory_space<vmem>>, %arg5: memref<1x1x1280xf32, #tpu.memory_space<vmem>>) attributes {dimension_semantics = [#tpu.dimension_semantics<arbitrary>], iteration_bounds = array<i64: 8>, scalar_prefetch = 0 : i64, scratch_operands = 0 : i64, tpu.core_type = #tpu.core_type<tc>, window_params = [{transform_indices = @transform_0, window_bounds = array<i64: 1280, 128>}, {pipeline_mode = #tpu.pipeline_mode<synchronous>, transform_indices = @transform_1, window_bounds = array<i64: 128, 128>}, {transform_indices = @transform_2, window_bounds = array<i64: 1, 1, 1280>}, {transform_indices = @transform_3, window_bounds = array<i64: 1280, 128>}, {transform_indices = @transform_4, window_bounds = array<i64: 1, 1, 1280>}]} {
    %get3A = arith.constant 0 : index
    %get3A_0 = arith.constant 0 : index
    %get3A_1 = arith.constant 0 : index
    %get3A_2 = vector.load %arg3[%get3A, %get3A_0, %get3A_1] : memref<1x1x1280xf32, #tpu.memory_space<vmem>>, vector<1x1x1280xf32>
    %get3A_3 = vector.shape_cast %get3A_2 : vector<1x1x1280xf32> to vector<1280xf32>
    %add3A = arith.constant 1.000000e+00 : f32
    %add3A_4 = vector.broadcast %add3A : f32 to vector<1280xf32>
    %add3A_5 = arith.addf %get3A_3, %add3A_4 : vector<1280xf32>
    %rsqrt3A = math.rsqrt %add3A_5 : vector<1280xf32>
    %swap3A = arith.constant 0 : index
    %swap3A_6 = arith.constant 0 : index
    %swap3A_7 = arith.constant 0 : index
    %swap3A_8 = vector.load %arg5[%swap3A, %swap3A_6, %swap3A_7] : memref<1x1x1280xf32, #tpu.memory_space<vmem>>, vector<1x1x1280xf32>
    %swap3A_9 = vector.shape_cast %swap3A_8 : vector<1x1x1280xf32> to vector<1280xf32>
    %swap3A_10 = vector.shape_cast %rsqrt3A : vector<1280xf32> to vector<1x1x1280xf32>
    tpu.vector_store %arg5[%swap3A, %swap3A_6, %swap3A_7], %swap3A_10 {strides = array<i32>} : memref<1x1x1280xf32, #tpu.memory_space<vmem>>, vector<1x1x1280xf32>,
    %get3A_11 = arith.constant 0 : index
    %get3A_12 = arith.constant 0 : index
    %get3A_13 = vector.load %arg1[%get3A_11, %get3A_12] : memref<1280x128xf32, #tpu.memory_space<vmem>>, vector<1280x128xf32>
    %get3A_14 = arith.constant 0 : index
    %get3A_15 = arith.constant 0 : index
    %get3A_16 = vector.load %arg2[%get3A_14, %get3A_15] : memref<128x128xf32, #tpu.memory_space<vmem>>, vector<128x128xf32>
    %dot_general3A = arith.constant dense<0.000000e+00> : vector<1280x128xf32>
    %dot_general3A_17 = tpu.matmul %get3A_13, %get3A_16, %dot_general3A {dimension_numbers = #tpu.dot_dimension_numbers<[1], [0], [0], [1], [0, 0, 1, 1], [], []>, transpose_lhs_hint = false} : vector<1280x128xf32>, vector<128x128xf32>, vector<1280x128xf32> -> vector<1280x128xf32>
    %broadcast_in_dim3A = vector.shape_cast %rsqrt3A : vector<1280xf32> to vector<1280x1xf32>
    %mul3A = vector.broadcast %broadcast_in_dim3A : vector<1280x1xf32> to vector<1280x128xf32>
    %mul3A_18 = arith.mulf %dot_general3A_17, %mul3A : vector<1280x128xf32>
    %swap3A_19 = arith.constant 0 : index
    %swap3A_20 = arith.constant 0 : index
    %swap3A_21 = vector.load %arg4[%swap3A_19, %swap3A_20] : memref<1280x128xf32, #tpu.memory_space<vmem>>, vector<1280x128xf32>
    tpu.vector_store %arg4[%swap3A_19, %swap3A_20], %mul3A_18 {strides = array<i32>} : memref<1280x128xf32, #tpu.memory_space<vmem>>, vector<1280x128xf32>,
    return
  }
  func.func @transform_0(%arg0: i32) -> (i32, i32) {
    %c0_i32 = arith.constant 0 : i32
    %c0_i32_0 = arith.constant 0 : i32
    return %arg0, %c0_i32 : i32, i32
  }
  func.func @transform_1(%arg0: i32) -> (i32, i32) {
    %c0_i32 = arith.constant 0 : i32
    %c0_i32_0 = arith.constant 0 : i32
    %c0_i32_1 = arith.constant 0 : i32
    return %c0_i32, %c0_i32_0 : i32, i32
  }
  func.func @transform_2(%arg0: i32) -> (i32, i32, i32) {
    %c0_i32 = arith.constant 0 : i32
    %c0_i32_0 = arith.constant 0 : i32
    %c0_i32_1 = arith.constant 0 : i32
    return %arg0, %c0_i32, %c0_i32_0 : i32, i32, i32
  }
  func.func @transform_3(%arg0: i32) -> (i32, i32) {
    %c0_i32 = arith.constant 0 : i32
    %c0_i32_0 = arith.constant 0 : i32
    return %arg0, %c0_i32 : i32, i32
  }
  func.func @transform_4(%arg0: i32) -> (i32, i32, i32) {
    %c0_i32 = arith.constant 0 : i32
    %c0_i32_0 = arith.constant 0 : i32
    %c0_i32_1 = arith.constant 0 : i32
    return %arg0, %c0_i32, %c0_i32_0 : i32, i32, i32
  }
}

module attributes {stable_mosaic.version = 14 : i64} {
  func.func @_head_body(%arg0: i32, %arg1: memref<1280x128xf32, #tpu.memory_space<vmem>>, %arg2: memref<1x1x1280xi32, #tpu.memory_space<vmem>>, %arg3: memref<1x1x64xi32, #tpu.memory_space<vmem>>, %arg4: memref<16x64xf32, #tpu.memory_space<vmem>>, %arg5: memref<192x128xf32, #tpu.memory_space<vmem>>, %arg6: memref<1x128xf32, #tpu.memory_space<vmem>>, %arg7: memref<128x8xf32, #tpu.memory_space<vmem>>, %arg8: memref<1x8xf32, #tpu.memory_space<vmem>>, %arg9: memref<64x8xf32, #tpu.memory_space<vmem>>, %arg10: memref<64x128xf32, #tpu.memory_space<vmem>>, %arg11: memref<64x128xf32, #tpu.memory_space<vmem>>) attributes {dimension_semantics = [#tpu.dimension_semantics<arbitrary>], iteration_bounds = array<i64: 8>, scalar_prefetch = 0 : i64, scratch_operands = 2 : i64, tpu.core_type = #tpu.core_type<tc>, window_params = [{transform_indices = @transform_0, window_bounds = array<i64: 1280, 128>}, {transform_indices = @transform_1, window_bounds = array<i64: 1, 1, 1280>}, {pipeline_mode = #tpu.pipeline_mode<synchronous>, transform_indices = @transform_2, window_bounds = array<i64: 1, 1, 64>}, {pipeline_mode = #tpu.pipeline_mode<synchronous>, transform_indices = @transform_3, window_bounds = array<i64: 16, 64>}, {pipeline_mode = #tpu.pipeline_mode<synchronous>, transform_indices = @transform_4, window_bounds = array<i64: 192, 128>}, {pipeline_mode = #tpu.pipeline_mode<synchronous>, transform_indices = @transform_5, window_bounds = array<i64: 1, 128>}, {pipeline_mode = #tpu.pipeline_mode<synchronous>, transform_indices = @transform_6, window_bounds = array<i64: 128, 8>}, {pipeline_mode = #tpu.pipeline_mode<synchronous>, transform_indices = @transform_7, window_bounds = array<i64: 1, 8>}, {pipeline_mode = #tpu.pipeline_mode<synchronous>, transform_indices = @transform_8, window_bounds = array<i64: 64, 8>}]} {
    %eq3A = arith.constant 0 : i32
    %eq3A_0 = arith.cmpi eq, %arg0, %eq3A : i32
    %convert_element_type3A = arith.extui %eq3A_0 : i1 to i32
    %cond3A = arith.constant 0 : i32
    %cond3A_1 = arith.cmpi ne, %convert_element_type3A, %cond3A : i32
    scf.if %cond3A_1 {
      %broadcast_in_dim3A_35 = arith.constant 0.000000e+00 : f32
      %broadcast_in_dim3A_36 = vector.broadcast %broadcast_in_dim3A_35 : f32 to vector<64x128xf32>
      %swap3A_37 = arith.constant 0 : index
      %swap3A_38 = arith.constant 0 : index
      %swap3A_39 = vector.load %arg10[%swap3A_37, %swap3A_38] : memref<64x128xf32, #tpu.memory_space<vmem>>, vector<64x128xf32>
      tpu.vector_store %arg10[%swap3A_37, %swap3A_38], %broadcast_in_dim3A_36 {strides = array<i32>} : memref<64x128xf32, #tpu.memory_space<vmem>>, vector<64x128xf32>,
      %broadcast_in_dim3A_40 = arith.constant 0.000000e+00 : f32
      %broadcast_in_dim3A_41 = vector.broadcast %broadcast_in_dim3A_40 : f32 to vector<64x128xf32>
      %swap3A_42 = arith.constant 0 : index
      %swap3A_43 = arith.constant 0 : index
      %swap3A_44 = vector.load %arg11[%swap3A_42, %swap3A_43] : memref<64x128xf32, #tpu.memory_space<vmem>>, vector<64x128xf32>
      tpu.vector_store %arg11[%swap3A_42, %swap3A_43], %broadcast_in_dim3A_41 {strides = array<i32>} : memref<64x128xf32, #tpu.memory_space<vmem>>, vector<64x128xf32>,
    } else {
    }
    %get3A = arith.constant 0 : index
    %get3A_2 = arith.constant 0 : index
    %get3A_3 = arith.constant 0 : index
    %get3A_4 = vector.load %arg2[%get3A, %get3A_2, %get3A_3] : memref<1x1x1280xi32, #tpu.memory_space<vmem>>, vector<1x1x1280xi32>
    %get3A_5 = vector.shape_cast %get3A_4 : vector<1x1x1280xi32> to vector<1280xi32>
    %iota3A = tpu.iota {dimensions = array<i32: 0>} : vector<64x1280xi32>
    %broadcast_in_dim3A = vector.shape_cast %get3A_5 : vector<1280xi32> to vector<1x1280xi32>
    %eq3A_6 = vector.broadcast %broadcast_in_dim3A : vector<1x1280xi32> to vector<64x1280xi32>
    %eq3A_7 = arith.cmpi eq, %iota3A, %eq3A_6 : vector<64x1280xi32>
    %convert_element_type3A_8 = arith.extui %eq3A_7 : vector<64x1280xi1> to vector<64x1280xi32>
    %convert_element_type3A_9 = arith.sitofp %convert_element_type3A_8 : vector<64x1280xi32> to vector<64x1280xf32>
    %get3A_10 = arith.constant 0 : index
    %get3A_11 = arith.constant 0 : index
    %get3A_12 = vector.load %arg10[%get3A_10, %get3A_11] : memref<64x128xf32, #tpu.memory_space<vmem>>, vector<64x128xf32>
    %get3A_13 = arith.constant 0 : index
    %get3A_14 = arith.constant 0 : index
    %get3A_15 = vector.load %arg1[%get3A_13, %get3A_14] : memref<1280x128xf32, #tpu.memory_space<vmem>>, vector<1280x128xf32>
    %dot_general3A = arith.constant dense<0.000000e+00> : vector<64x128xf32>
    %dot_general3A_16 = tpu.matmul %convert_element_type3A_9, %get3A_15, %dot_general3A {dimension_numbers = #tpu.dot_dimension_numbers<[1], [0], [0], [1], [0, 0, 1, 1], [], []>, transpose_lhs_hint = false} : vector<64x1280xf32>, vector<1280x128xf32>, vector<64x128xf32> -> vector<64x128xf32>
    %add3A = arith.addf %get3A_12, %dot_general3A_16 : vector<64x128xf32>
    %swap3A = arith.constant 0 : index
    %swap3A_17 = arith.constant 0 : index
    %swap3A_18 = vector.load %arg10[%swap3A, %swap3A_17] : memref<64x128xf32, #tpu.memory_space<vmem>>, vector<64x128xf32>
    tpu.vector_store %arg10[%swap3A, %swap3A_17], %add3A {strides = array<i32>} : memref<64x128xf32, #tpu.memory_space<vmem>>, vector<64x128xf32>,
    %get3A_19 = arith.constant 0 : index
    %get3A_20 = arith.constant 0 : index
    %get3A_21 = vector.load %arg11[%get3A_19, %get3A_20] : memref<64x128xf32, #tpu.memory_space<vmem>>, vector<64x128xf32>
    %reduce_sum3A = arith.constant dense<0.000000e+00> : vector<64xf32>
    %reduce_sum3A_22 = vector.multi_reduction <add>, %convert_element_type3A_9, %reduce_sum3A [1] : vector<64x1280xf32> to vector<64xf32>
    %broadcast_in_dim3A_23 = vector.shape_cast %reduce_sum3A_22 : vector<64xf32> to vector<64x1xf32>
    %broadcast_in_dim3A_24 = vector.shape_cast %broadcast_in_dim3A_23 : vector<64x1xf32> to vector<64x1xf32>
    %broadcast_in_dim3A_25 = vector.broadcast %broadcast_in_dim3A_24 : vector<64x1xf32> to vector<64x128xf32>
    %add3A_26 = arith.addf %get3A_21, %broadcast_in_dim3A_25 : vector<64x128xf32>
    %swap3A_27 = arith.constant 0 : index
    %swap3A_28 = arith.constant 0 : index
    %swap3A_29 = vector.load %arg11[%swap3A_27, %swap3A_28] : memref<64x128xf32, #tpu.memory_space<vmem>>, vector<64x128xf32>
    tpu.vector_store %arg11[%swap3A_27, %swap3A_28], %add3A_26 {strides = array<i32>} : memref<64x128xf32, #tpu.memory_space<vmem>>, vector<64x128xf32>,
    %eq3A_30 = arith.constant 7 : i32
    %eq3A_31 = arith.cmpi eq, %arg0, %eq3A_30 : i32
    %convert_element_type3A_32 = arith.extui %eq3A_31 : i1 to i32
    %cond3A_33 = arith.constant 0 : i32
    %cond3A_34 = arith.cmpi ne, %convert_element_type3A_32, %cond3A_33 : i32
    scf.if %cond3A_34 {
      %get3A_35 = arith.constant 0 : index
      %get3A_36 = arith.constant 0 : index
      %get3A_37 = vector.load %arg10[%get3A_35, %get3A_36] : memref<64x128xf32, #tpu.memory_space<vmem>>, vector<64x128xf32>
      %get3A_38 = arith.constant 0 : index
      %get3A_39 = arith.constant 0 : index
      %get3A_40 = vector.load %arg11[%get3A_38, %get3A_39] : memref<64x128xf32, #tpu.memory_space<vmem>>, vector<64x128xf32>
      %max3A = arith.constant 1.000000e+00 : f32
      %max3A_41 = vector.broadcast %max3A : f32 to vector<64x128xf32>
      %max3A_42 = arith.maximumf %get3A_40, %max3A_41 : vector<64x128xf32>
      %div3A = arith.divf %get3A_37, %max3A_42 : vector<64x128xf32>
      %get3A_43 = arith.constant 0 : index
      %get3A_44 = arith.constant 0 : index
      %get3A_45 = arith.constant 0 : index
      %get3A_46 = vector.load %arg3[%get3A_43, %get3A_44, %get3A_45] : memref<1x1x64xi32, #tpu.memory_space<vmem>>, vector<1x1x64xi32>
      %get3A_47 = vector.shape_cast %get3A_46 : vector<1x1x64xi32> to vector<64xi32>
      %iota3A_48 = tpu.iota {dimensions = array<i32: 1>} : vector<64x16xi32>
      %broadcast_in_dim3A_49 = vector.shape_cast %get3A_47 : vector<64xi32> to vector<64x1xi32>
      %eq3A_50 = vector.broadcast %broadcast_in_dim3A_49 : vector<64x1xi32> to vector<64x16xi32>
      %eq3A_51 = arith.cmpi eq, %iota3A_48, %eq3A_50 : vector<64x16xi32>
      %convert_element_type3A_52 = arith.extui %eq3A_51 : vector<64x16xi1> to vector<64x16xi32>
      %convert_element_type3A_53 = arith.sitofp %convert_element_type3A_52 : vector<64x16xi32> to vector<64x16xf32>
      %get3A_54 = arith.constant 0 : index
      %get3A_55 = arith.constant 0 : index
      %get3A_56 = vector.load %arg4[%get3A_54, %get3A_55] : memref<16x64xf32, #tpu.memory_space<vmem>>, vector<16x64xf32>
      %dot_general3A_57 = arith.constant dense<0.000000e+00> : vector<64x64xf32>
      %dot_general3A_58 = tpu.matmul %convert_element_type3A_53, %get3A_56, %dot_general3A_57 {dimension_numbers = #tpu.dot_dimension_numbers<[1], [0], [0], [1], [0, 0, 1, 1], [], []>, transpose_lhs_hint = false} : vector<64x16xf32>, vector<16x64xf32>, vector<64x64xf32> -> vector<64x64xf32>
      %concatenate3A = tpu.concatenate %div3A, %dot_general3A_58 in 1 : vector<64x128xf32>, vector<64x64xf32> -> vector<64x192xf32>
      %get3A_59 = arith.constant 0 : index
      %get3A_60 = arith.constant 0 : index
      %get3A_61 = vector.load %arg5[%get3A_59, %get3A_60] : memref<192x128xf32, #tpu.memory_space<vmem>>, vector<192x128xf32>
      %dot_general3A_62 = arith.constant dense<0.000000e+00> : vector<64x128xf32>
      %dot_general3A_63 = tpu.matmul %concatenate3A, %get3A_61, %dot_general3A_62 {dimension_numbers = #tpu.dot_dimension_numbers<[1], [0], [0], [1], [0, 0, 1, 1], [], []>, transpose_lhs_hint = false} : vector<64x192xf32>, vector<192x128xf32>, vector<64x128xf32> -> vector<64x128xf32>
      %get3A_64 = arith.constant 0 : index
      %get3A_65 = arith.constant 0 : index
      %get3A_66 = vector.load %arg6[%get3A_64, %get3A_65] : memref<1x128xf32, #tpu.memory_space<vmem>>, vector<1x128xf32>
      %add3A_67 = vector.broadcast %get3A_66 : vector<1x128xf32> to vector<64x128xf32>
      %add3A_68 = arith.addf %dot_general3A_63, %add3A_67 : vector<64x128xf32>
      %max3A_69 = arith.constant 0.000000e+00 : f32
      %max3A_70 = vector.broadcast %max3A_69 : f32 to vector<64x128xf32>
      %max3A_71 = arith.maximumf %add3A_68, %max3A_70 : vector<64x128xf32>
      %min3A = arith.constant 0.000000e+00 : f32
      %min3A_72 = vector.broadcast %min3A : f32 to vector<64x128xf32>
      %min3A_73 = arith.minimumf %add3A_68, %min3A_72 : vector<64x128xf32>
      %mul3A = arith.constant 2.000000e-01 : f32
      %mul3A_74 = vector.broadcast %mul3A : f32 to vector<64x128xf32>
      %mul3A_75 = arith.mulf %mul3A_74, %min3A_73 : vector<64x128xf32>
      %add3A_76 = arith.addf %max3A_71, %mul3A_75 : vector<64x128xf32>
      %get3A_77 = arith.constant 0 : index
      %get3A_78 = arith.constant 0 : index
      %get3A_79 = vector.load %arg7[%get3A_77, %get3A_78] : memref<128x8xf32, #tpu.memory_space<vmem>>, vector<128x8xf32>
      %dot_general3A_80 = arith.constant dense<0.000000e+00> : vector<64x8xf32>
      %dot_general3A_81 = tpu.matmul %add3A_76, %get3A_79, %dot_general3A_80 {dimension_numbers = #tpu.dot_dimension_numbers<[1], [0], [0], [1], [0, 0, 1, 1], [], []>, transpose_lhs_hint = false} : vector<64x128xf32>, vector<128x8xf32>, vector<64x8xf32> -> vector<64x8xf32>
      %get3A_82 = arith.constant 0 : index
      %get3A_83 = arith.constant 0 : index
      %get3A_84 = vector.load %arg8[%get3A_82, %get3A_83] : memref<1x8xf32, #tpu.memory_space<vmem>>, vector<1x8xf32>
      %add3A_85 = vector.broadcast %get3A_84 : vector<1x8xf32> to vector<64x8xf32>
      %add3A_86 = arith.addf %dot_general3A_81, %add3A_85 : vector<64x8xf32>
      %swap3A_87 = arith.constant 0 : index
      %swap3A_88 = arith.constant 0 : index
      %swap3A_89 = vector.load %arg9[%swap3A_87, %swap3A_88] : memref<64x8xf32, #tpu.memory_space<vmem>>, vector<64x8xf32>
      tpu.vector_store %arg9[%swap3A_87, %swap3A_88], %add3A_86 {strides = array<i32>} : memref<64x8xf32, #tpu.memory_space<vmem>>, vector<64x8xf32>,
    } else {
    }
    return
  }
  func.func @transform_0(%arg0: i32) -> (i32, i32) {
    %c0_i32 = arith.constant 0 : i32
    %c0_i32_0 = arith.constant 0 : i32
    return %arg0, %c0_i32 : i32, i32
  }
  func.func @transform_1(%arg0: i32) -> (i32, i32, i32) {
    %c0_i32 = arith.constant 0 : i32
    %c0_i32_0 = arith.constant 0 : i32
    %c0_i32_1 = arith.constant 0 : i32
    return %arg0, %c0_i32, %c0_i32_0 : i32, i32, i32
  }
  func.func @transform_2(%arg0: i32) -> (i32, i32, i32) {
    %c0_i32 = arith.constant 0 : i32
    %c0_i32_0 = arith.constant 0 : i32
    %c0_i32_1 = arith.constant 0 : i32
    %c0_i32_2 = arith.constant 0 : i32
    return %c0_i32, %c0_i32_0, %c0_i32_1 : i32, i32, i32
  }
  func.func @transform_3(%arg0: i32) -> (i32, i32) {
    %c0_i32 = arith.constant 0 : i32
    %c0_i32_0 = arith.constant 0 : i32
    %c0_i32_1 = arith.constant 0 : i32
    return %c0_i32, %c0_i32_0 : i32, i32
  }
  func.func @transform_4(%arg0: i32) -> (i32, i32) {
    %c0_i32 = arith.constant 0 : i32
    %c0_i32_0 = arith.constant 0 : i32
    %c0_i32_1 = arith.constant 0 : i32
    return %c0_i32, %c0_i32_0 : i32, i32
  }
  func.func @transform_5(%arg0: i32) -> (i32, i32) {
    %c0_i32 = arith.constant 0 : i32
    %c0_i32_0 = arith.constant 0 : i32
    %c0_i32_1 = arith.constant 0 : i32
    return %c0_i32, %c0_i32_0 : i32, i32
  }
  func.func @transform_6(%arg0: i32) -> (i32, i32) {
    %c0_i32 = arith.constant 0 : i32
    %c0_i32_0 = arith.constant 0 : i32
    %c0_i32_1 = arith.constant 0 : i32
    return %c0_i32, %c0_i32_0 : i32, i32
  }
  func.func @transform_7(%arg0: i32) -> (i32, i32) {
    %c0_i32 = arith.constant 0 : i32
    %c0_i32_0 = arith.constant 0 : i32
    %c0_i32_1 = arith.constant 0 : i32
    return %c0_i32, %c0_i32_0 : i32, i32
  }
  func.func @transform_8(%arg0: i32) -> (i32, i32) {
    %c0_i32 = arith.constant 0 : i32
    %c0_i32_0 = arith.constant 0 : i32
    %c0_i32_1 = arith.constant 0 : i32
    return %c0_i32, %c0_i32_0 : i32, i32
  }
}

</mosaic_0001>

<sc_bundles>
// kernel: kernel.6.cloned.1.call-start
scs
__scs_entry_jumppad:
0x0: {  	(pc) =	sbr.rel $0x88, $3  }
0x1: {  	(tag) =	ssettag $0x0;
	lr =	simm.s32 $0x1  }
0x2: {  	[smem:$0x3F96] =	sst lr;
	_ =	strace $0xD0000000  }
0x3: {  	_ = 	snop  }
0x4: {  	_ = 	snop  }
0x5: {  	_ = 	snop  }
0x6: {  	_ = 	snop  }
0x7: {  	_ = 	snop  }
__scs_overlays_trampoline_lowered:
0x8: {  	[smem:$0x3FA5] =	sst s0  }
0x9: {  	[smem:$0x3FA6] =	sst s1  }
0xa: {  	[smem:$0x3FA7] =	sst s2  }
0xb: {  	[smem:$0x3FA8] =	sst s3  }
0xc: {  	[smem:$0x3FA9] =	sst s4  }
0xd: {  	[smem:$0x3FAA] =	sst s5  }
0xe: {  	[smem:$0x3FAB] =	sst s6  }
0xf: {  	[smem:$0x3FAC] =	sst s7  }
0x10: {  	[smem:$0x3FAD] =	sst s8  }
0x11: {  	[smem:$0x3FAE] =	sst s9;
	s0 =	simm.s32 @!p0 $0x0  }
0x12: {  	s1 =	sld [smem:$0x3F94];
	s0 =	simm.s32 @p0 $0x1  }
0x13: {  	[smem:$0x3FAF] =	sst s0;
	s0 =	simm.s32 @!p1 $0x0  }
0x14: {  	s2 =	sld [smem:$0x3F93];
	s0 =	simm.s32 @p1 $0x1  }
0x15: {  	[smem:$0x3FB0] =	sst s0;
	s0 =	simm.s32 @!p2 $0x0  }
0x16: {  	s3 =	sld [smem:$0x3FDB];
	s0 =	simm.s32 @p2 $0x1  }
0x17: {  	s4 =	simm.s32 $0x1BF5;
	[smem:$0x3FB2] =	sst s0  }
0x18: {  	s0 =	sld [smem:$0x3F95];
	_ =	swait.ge [sflag:s4], $0x0  }
0x19: {  	s7 =	sld [smem:$0x3F96]  }
0x1a: {  	s8 =	sadd.s32 $0xFFFFE003, lr  }
0x1b: {  	s9 =	sadd.s32 $0xFFFFFEF7, lr;
	s5 =	simm.s32 $0xFFFFFFFF;
	p2 =	slt.u32 s8, $0xFFFFF086  }
0x1c: {  	p1 =	slt.u32 s9, $0xF7A;
	s5 =	simm.s32 @!p2 $0x0  }
0x1d: {  	s5 =	simm.s32 @p1 $0x1;
	p0 =	seq.s32 s7, s2  }
0x1e: {  	s7 =	smul.u32 @!p0 $0xF7A, s2;
	p2 =	seq.s32 @!p0 s5, $0x0  }
0x1f: {  	s9 =	smul.u32 $0xF7A, s1;
	s8 =	simm.s32 @!p0 $0x1BF5;
	p2 =	por !p2, p0  }
0x20: {  	[sflag:s8] =	ssyncset.s32 @!p0 $0xFFFFF086;
	s6 =	sadd.s32 @!p0 s3, s7;
	s7 =	simm.s32 @!p0 $0x108  }
0x21: {  	s3 =	sadd.s32 s3, s9;
	s6 =	sadd.s32 @!p0 $0x88, s6;
	s7 =	simm.s32 @p2 $0x1082  }
0x22: {  	[simem:s7], [sflag:s8] =	dma.local @!p0 [hbm:s6], $0xF7A  }
0x23: {  	s9 =	sor.u32 $0xD0000000, s2;
	s6 =	simm.s32 $0x108;
	_ =	swait.ge @!p0 [sflag:s8], $0x0  }
0x24: {  	s3 =	sadd.s32 $0x88, s3;
	s6 =	simm.s32 @!p1 $0x1082;
	[sflag:s4] =	ssyncset.s32 $0xFFFFF086  }
0x25: {  	[simem:s6], [sflag:s4] =	dma.local [hbm:s3], $0xF7A  }
0x26: {  	[smem:$0x3F96] =	sst s1;
	(tag) =	ssettag s2;
	_ =	strace s9  }
0x27: {  	s1 =	sld [smem:$0x3FA6]  }
0x28: {  	s2 =	sld [smem:$0x3FA7]  }
0x29: {  	s4 =	sld [smem:$0x3FA9]  }
0x2a: {  	p0 =	seq.s32 s5, $0x0;
	s5 =	sld [smem:$0x3FAA]  }
0x2b: {  	s6 =	sld [smem:$0x3FAB]  }
0x2c: {  	s7 =	sld [smem:$0x3FAC]  }
0x2d: {  	s3 =	simm.s32 $0x108;
	s8 =	sld [smem:$0x3FAD]  }
0x2e: {  	s3 =	simm.s32 @!p0 $0x1082;
	s9 =	sld [smem:$0x3FAE]  }
0x2f: {  	lr =	sadd.s32 s0, s3;
	s0 =	sld [smem:$0x3FA5]  }
0x30: {  	s3 =	sld [smem:$0x3FA8]  }
0x31: {  	[smem:$0x3FB1] =	sst s10  }
0x32: {  	s10 =	sld [smem:$0x3FAF];
	_ =	sdelay $0x3  }
0x33: {  	p0 =	seq.s32 s10, $0x1;
	s10 =	sld [smem:$0x3FB1];
	_ =	sdelay $0x3  }
0x34: {  	[smem:$0x3FB1] =	sst s10  }
0x35: {  	s10 =	sld [smem:$0x3FB0];
	_ =	sdelay $0x3  }
0x36: {  	p1 =	seq.s32 s10, $0x1;
	s10 =	sld [smem:$0x3FB1];
	_ =	sdelay $0x3  }
0x37: {  	[smem:$0x3FB1] =	sst s10  }
0x38: {  	s10 =	sld [smem:$0x3FB2]  }
0x39: {  	_ = 	snop;
	(pc) =	sbr.ind lr, $3  }
0x3a: {  	_ = 	snop  }
0x3b: {  	_ = 	snop  }
0x3c: {  	p2 =	seq.s32 s10, $0x1;
	s10 =	sld [smem:$0x3FB1]  }
0x3d: {  	_ =	shalt  }
0x3e: {  	_ =	shalt  }
0x3f: {  	_ =	shalt  }
0x40: {  	_ =	shalt  }
0x41: {  	_ =	shalt  }
0x42: {  	_ =	shalt  }
0x43: {  	_ =	shalt  }
0x44: {  	_ =	shalt  }
0x45: {  	_ =	shalt  }
0x46: {  	_ =	shalt  }
0x47: {  	_ =	shalt  }
0x48: {  	_ =	shalt  }
0x49: {  	_ =	shalt  }
0x4a: {  	_ =	shalt  }
0x4b: {  	_ =	shalt  }
0x4c: {  	_ =	shalt  }
0x4d: {  	_ =	shalt  }
0x4e: {  	_ =	shalt  }
0x4f: {  	_ =	shalt  }
0x50: {  	_ =	shalt  }
0x51: {  	_ =	shalt  }
0x52: {  	_ =	shalt  }
0x53: {  	_ =	shalt  }
0x54: {  	_ =	shalt  }
0x55: {  	_ =	shalt  }
0x56: {  	_ =	shalt  }
0x57: {  	_ =	shalt  }
0x58: {  	_ =	shalt  }
0x59: {  	_ =	shalt  }
0x5a: {  	_ =	shalt  }
0x5b: {  	_ =	shalt  }
0x5c: {  	_ =	shalt  }
0x5d: {  	_ =	shalt  }
0x5e: {  	_ =	shalt  }
0x5f: {  	_ =	shalt  }
0x60: {  	_ =	shalt  }
0x61: {  	_ =	shalt  }
0x62: {  	_ =	shalt  }
0x63: {  	_ =	shalt  }
0x64: {  	_ =	shalt  }
0x65: {  	_ =	shalt  }
0x66: {  	_ =	shalt  }
0x67: {  	_ =	shalt  }
0x68: {  	_ =	shalt  }
0x69: {  	_ =	shalt  }
0x6a: {  	_ =	shalt  }
0x6b: {  	_ =	shalt  }
0x6c: {  	_ =	shalt  }
0x6d: {  	_ =	shalt  }
0x6e: {  	_ =	shalt  }
0x6f: {  	_ =	shalt  }
0x70: {  	_ =	shalt  }
0x71: {  	_ =	shalt  }
0x72: {  	_ =	shalt  }
0x73: {  	_ =	shalt  }
0x74: {  	_ =	shalt  }
0x75: {  	_ =	shalt  }
0x76: {  	_ =	shalt  }
0x77: {  	_ =	shalt  }
0x78: {  	_ =	shalt  }
0x79: {  	_ =	shalt  }
0x7a: {  	_ =	shalt  }
0x7b: {  	_ =	shalt  }
0x7c: {  	_ =	shalt  }
0x7d: {  	_ =	shalt  }
0x7e: {  	_ =	shalt  }
0x7f: {  	_ =	shalt  }
0x80: {  	_ =	shalt  }
0x81: {  	_ =	shalt  }
0x82: {  	_ =	shalt  }
0x83: {  	_ =	shalt  }
0x84: {  	_ =	shalt  }
0x85: {  	_ =	shalt  }
0x86: {  	_ =	shalt  }
0x87: {  	_ =	shalt  }
.Lfunc_end0:
.L_simem_size_0:
called_computation_lowered:
.L_overlay_start_0:
0x88: {  	s2 =	sld [smem:$0x3FD9]  }
0x89: {  	s3 =	sld [smem:$0x3FFE];
	_ =	sdelay $0x1  }
0x8a: {  	s1 =	srdreg.scid  }
0x8b: {  	s0 =	sand.u32 $0x1, s1  }
0x8c: {  	s16 =	sshll.u32 s0, $0xA;
	s2 =	sadd.s32 s3, s2  }
0x8d: {  	s2 =	sadd.s32 s2, s16  }
0x8e: {  	[smem:$0x3FBD] =	sst s2  }
0x8f: {  	_ = 	snop  }
0x90: {  	(tm) =	ssettm $0x1  }
0x91: {  	s17 =	sld [smem:$0x3FFB];
	_ =	sdelay $0x3  }
0x92: {  	_ =	strace s17  }
0x93: {  	s2 =	sld [smem:$0x3FFC];
	_ =	sdelay $0x3  }
0x94: {  	_ =	strace s2  }
0x95: {  	s2 =	sld [smem:$0x3FFD];
	_ =	sdelay $0x3  }
0x96: {  	_ =	strace s2  }
0x97: {  	_ =	strace $0x8FFFFFFF  }
0x98: {  	s18 =	sld [smem:$0x3FDB];
	_ =	sdelay $0x1  }
0x99: {  	s19 =	simm.s32 $_scs_section_size  }
0x9a: {  	s4 =	simm.s32 $_size__tile_overlayer_lowered;
	s5 =	simm.s32 $_tile_overlayer_lowered  }
0x9b: {  	s22 =	simm.s32 $0x1BFF;
	s21 =	sshll.u32 s5, $0x1;
	s2 =	sadd.s32 s19, s18  }
0x9c: {  	s6 =	simm.s32 $0x0;
	s20 =	sshll.u32 s4, $0x1;
	s4 =	sadd.s32 s21, s2  }
0x9d: {  	[timem:s6], [sflag:s22] =	dma.local [hbm:s4], s20  }
0x9e: {  	_ =	swait.ge [sflag:s22], s20  }
0x9f: {  	s3 =	ssub.s32 $0x0, s20;
	[sflag:s22] =	ssyncset.done $0x0  }
0xa0: {  	[sflag:s22] =	ssyncadd.s32 s3;
	_ =	sdelay $0x1  }
0xa1: {  	s23 =	simm.s32 $0x1B8B  }
0xa2: {  	_ =	swait.ge [sflag:s23], $0x1  }
0xa3: {  	[sflag:s23] =	ssyncset.done $0x0  }
0xa4: {  	s25 =	simm.s32 $0x1B8E;
	s24 =	sld [smem:$0x3FFE];
	[sflag:s23] =	ssyncadd.s32 $0xFFFFFFFF  }
0xa5: {  	s26 =	simm.s32 $execute0_lowered;
	[smem:$0x3FD2] =	sst s25  }
0xa6: {  	s4 =	sshll.u32 s26, $0x1;
	_ =	strace $0x80000046;
	[dreg:$0x1] =	wrdreg $0xFFFFFFFF  }
0xa7: {  	s28 =	simm.s32 $_size_execute0_lowered;
	s2 =	sadd.s32 s2, s4;
	[dreg:$0x0] =	wrdreg $0x0  }
0xa8: {  	s4 =	sshll.u32 s28, $0x1;
	[dreg:$0x2] =	wrdreg s2  }
0xa9: {  	[dreg:$0x3] =	wrdreg s4  }
0xaa: {  	[dreg:$0x4] =	wrdreg $0xC0  }
0xab: {  	_ =	task [dreg:s6], $0x5FFFF  }
0xac: {  	[dreg:$0x1] =	wrdreg $0xFFFFFFFF  }
0xad: {  	[dreg:$0x0] =	wrdreg $0x60  }
0xae: {  	[dreg:$0x2] =	wrdreg s24  }
0xaf: {  	[dreg:$0x3] =	wrdreg $0x9  }
0xb0: {  	_ =	task.clear_ibuf [dreg:s6], $0x4FFFF;
	_ =	strace $0x90000046  }
0xb1: {  	s29 =	simm.s32 $0x9;
	_ =	strace $0x80000048  }
0xb2: {  	_ =	swait.ge [sflag:s29], $0x1  }
0xb3: {  	[sflag:s29] =	ssyncadd.s32 $0xFFFFFFFF  }
0xb4: {  	_ =	strace $0x90000048  }
0xb5: {  	_ =	sfence  }
0xb6: {  	s30 =	sld [smem:$0x0];
	_ =	sdelay $0x2  }
0xb7: {  	s31 =	sshll.u32 s1, $0xD;
	s1 =	sshrl.u32 s1, $0x2  }
0xb8: {  	s3 =	sand.u32 $0x4000, s31;
	s1 =	sadd.s32 s1, s30  }
0xb9: {  	s0 =	sor.u32 s3, s0;
	s1 =	sshll.u32 s1, $0x11  }
0xba: {  	s0 =	sor.u32 s1, s0  }
0xbb: {  	s0 =	sadd.s32 $0x8F2B, s0  }
0xbc: {  	[sflag:s0] =	ssyncadd.remote.s32 $0x1  }
0xbd: {  	_ =	sfence.sel $0xFFFF  }
0xbe: {  	[dreg:$0x0] =	wrdreg $0xFFFFFFFF;
	(pc) =	sbr.abs _section_cstart, $3  }
0xbf: {  	[dreg:$0x1] =	wrdreg $0xFFFFFFFF  }
0xc0: {  	_ =	task.clear_ibuf [dreg:s6], $0x2FFFF;
	_ =	strace $0x9FFFFFFF  }
0xc1: {  	(tm) =	ssettm $0x7FFFFFFF  }
tec
execute0_lowered:
.L_overlay_start_1:
0x0: {  	(tag) =	ssettag $0x1  }
0x1: {  	s1 =	srdreg.scid  }
0x2: {  	s0 =	stileid.u32;
	s5 =	rddreg [dreg:$0x0];
	s2 =	simm.s32 $0x0  }
0x3: {  	s13 =	simm.s32 $0x3180;
	s6 =	sand.u32 $0x1, s1;
	s3 =	sshll.u32 s0, $0x1  }
0x4: {  	s14 =	simm.s32 $0x0;
	s1 =	rddreg [dreg:$0x1];
	s7 =	sor.u32 s6, s3  }
0x5: {  	[smem:$0x7FF] =	sst s2;
	s6 =	ssub.s32 $0x2, s6;
	s9 =	smul.u32 $0x140, s7  }
0x6: {  	s4 =	sadd.s32 $0x16800, s5;
	s8 =	smul.u32 $0xA0, s7;
	s31 =	sshrl.u32 s6, $0x1  }
0x7: {  	_ =	strace $0x80000047;
	s3 =	sadd.s32 $0x2800, s5;
	s11 =	ssub.s32 s6, s31  }
0x8: {  	s10 =	sshrl.u32 s9, $0x3;
	s8 =	sadd.s32 s8, s5;
	s12 =	sadd.s32 $0x140, s9  }
0x9: {  	v0 =	vmov s9;
	s9 =	simm.s32 $0x1;
	s10 =	sadd.s32 s10, s5;
	s5 =	smul.u32 $0x50, s7  }
0xa: {  	v2 =	vimm.f32 $0.0e+00;
	s6 =	sadd.s32 $0x150400, s8;
	s8 =	smax.u32 s11, $0x1;
	s11 =	simm.s32 $0x2000  }
0xb: {  	v3 =	vimm.s32 $0x0;
	v4 =	vimm.f32 $1.000000000e+00;
	v1 =	vmov s12;
	s12 =	simm.s32 $0x3000;
	s7 =	sadd.s32 $0x16200, s10;
	s10 =	simm.s32 $0x1000  }
.LBB2_1:
0xc: {  	[tilespmem:$0x3000] =	vst v2  }
0xd: {  	[tilespmem:$0x3010] =	vst v2  }
0xe: {  	[tilespmem:$0x3020] =	vst v2  }
0xf: {  	[tilespmem:$0x3030] =	vst v2  }
0x10: {  	[tilespmem:$0x3040] =	vst v2  }
0x11: {  	[tilespmem:$0x3050] =	vst v2  }
0x12: {  	[tilespmem:$0x3060] =	vst v2  }
0x13: {  	[tilespmem:$0x3070] =	vst v2  }
0x14: {  	[tilespmem:$0x3080] =	vst v2  }
0x15: {  	[tilespmem:$0x3090] =	vst v2  }
0x16: {  	[tilespmem:$0x30A0] =	vst v2  }
0x17: {  	[tilespmem:$0x30B0] =	vst v2  }
0x18: {  	[tilespmem:$0x30C0] =	vst v2  }
0x19: {  	[tilespmem:$0x30D0] =	vst v2  }
0x1a: {  	[tilespmem:$0x30E0] =	vst v2  }
0x1b: {  	[tilespmem:$0x30F0] =	vst v2  }
0x1c: {  	[tilespmem:$0x3100] =	vst v2  }
0x1d: {  	[tilespmem:$0x3110] =	vst v2  }
0x1e: {  	[tilespmem:$0x3120] =	vst v2  }
0x1f: {  	[tilespmem:$0x3130] =	vst v2;
	s15 =	simm.s32 $0x0  }
.LBB2_2:
0x20: {  	s16 =	smul.u32 $0xFA0, s15;
	_ =	sdelay $0x1  }
0x21: {  	s16 =	sshrl.u32 s16, $0x3  }
0x22: {  	s17 =	sadd.s32 s3, s16;
	s16 =	simm.s32 $0x0  }
0x23: {  	[tilespmem:s16], [sflag:$0x1] =	stream.linear.gather [hbm4b:s17+s16], $0xFA0, $0x38;
	[tilespmem:$0x3680] =	vst v63  }
0x24: {  	_ =	swait.ge [sflag:s9], $0xFA0  }
0x25: {  	[sflag:s9] =	ssyncset.done $0x0  }
0x26: {  	s17 =	sadd.s32 $0x9C40, s17;
	[sflag:s9] =	ssyncadd.s32 $0xFFFFF060  }
0x27: {  	[tilespmem:s10], [sflag:$0x1] =	stream.linear.gather [hbm4b:s17+s16], $0xFA0, $0x38;
	[tilespmem:$0x3680] =	vst v63  }
0x28: {  	_ =	swait.ge [sflag:s9], $0xFA0  }
0x29: {  	[sflag:s9] =	ssyncset.done $0x0  }
0x2a: {  	s31 =	simm.s32 $0x0;
	[sflag:s9] =	ssyncadd.s32 $0xFFFFF060  }
0x2b: {  	v5 =	vld [tilespmem:s31+$0x1000];
	_ =	sdelay $0x4  }
0x2c: {  	vm0 =	vge.s32 v5, v0;
	vm1 =	vlt.s32 v5, v1  }
0x2d: {  	vm0 =	vmand vm0, vm1  }
0x2e: {  	v6 =	vsel vm0, $0x1, v3  }
0x2f: {  	(xrf0) =	vadd.scan.msk.s32 $0xffff, v6;
	_ =	sdelay $0x4  }
0x30: {  	v5 =	vsub.s32 v5, v0;
	v6 =	vsel vm0, $0xFFFFFFFF, v3  }
0x31: {  	v7 =	vld [tilespmem:s31+$0x0];
	vm1 =	vgt.s32 v5, $0x0;
	v6 =	vadd.s32 s16, v6;
	v8, _, _ =	vpop (xrf0)  }
0x32: {  	v9 =	vnsel vm1, $0x0, v5;
	v6 =	vadd.s32 v8, v6;
	(v2sf) =	vpush v8, $0xF  }
0x33: {  	v8 =	vmin.u32 v9, $0x13F;
	_ =	sdelay $0x1  }
0x34: {  	v5 =	vshll.u32 v5, $0xE  }
0x35: {  	v5 =	vor.u32 v7, v5  }
0x36: {  	[tilespmem:v6+s11+$0x0] =	vst.idx.msk vm0, v5  }
0x37: {  	s18 =	simm.s32 $0x10;
	[tilespmem:v8+s12+$0x0] =	vst.idx.add.f32.msk vm0, v4  }
0x38: {  	v5 =	vld [tilespmem:s18+$0x1000];
	_ =	sdelay $0x4  }
0x39: {  	vm0 =	vge.s32 v5, v0;
	vm1 =	vlt.s32 v5, v1  }
0x3a: {  	v6 =	vsub.s32 v5, v0;
	vm0 =	vmand vm0, vm1  }
0x3b: {  	vm1 =	vgt.s32 v6, $0x0;
	v7 =	vsel vm0, $0x1, v3  }
0x3c: {  	s17 =	simm.s32 $0x80;
	v5 =	vshll.u32 v6, $0xE;
	v6 =	vnsel vm1, $0x0, v6;
	(xrf0) =	vadd.scan.msk.s32 $0xffff, v7;
	s19 =	spop (v2sf)  }
.LBB2_3:
0x3d: {  	p0 =	sne.s32 s17, $0x3E40  }
0x3e: {  	s16 =	sadd.s32 s16, s19;
	s19 =	smov.u32 s17;
	s17 =	sadd.s32 $0x40, s17  }
0x3f: {  	_ =	sdelay $0x2  }
0x40: {  	v7 =	vsel vm0, $0xFFFFFFFF, v3  }
0x41: {  	v7 =	vadd.s32 s16, v7;
	v8 =	vld [tilespmem:s18+$0x0];
	v9, _, _ =	vpop (xrf0)  }
0x42: {  	v7 =	vadd.s32 v9, v7;
	(v2sf) =	vpush v9, $0xF  }
0x43: {  	v6 =	vmin.u32 v6, $0x13F;
	_ =	sdelay $0x2  }
0x44: {  	v5 =	vor.u32 v8, v5  }
0x45: {  	[tilespmem:v7+s11+$0x0] =	vst.idx.msk vm0, v5  }
0x46: {  	s18 =	sshra.s32 s19, $0x2;
	[tilespmem:v6+s12+$0x0] =	vst.idx.add.f32.msk vm0, v4  }
0x47: {  	v5 =	vld [tilespmem:s18+$0x1000];
	_ =	sdelay $0x3  }
.Ltmp0:
0x48: {  	(pc) =	sbr.rel @p0 .LBB2_3-.Ltmp0, $4  }
0x49: {  	v6 =	vsub.s32 v5, v0;
	vm0 =	vge.s32 v5, v0;
	vm1 =	vlt.s32 v5, v1  }
0x4a: {  	vm0 =	vmand vm0, vm1;
	v5 =	vshll.u32 v6, $0xE;
	vm1 =	vgt.s32 v6, $0x0  }
0x4b: {  	v7 =	vsel vm0, $0x1, v3;
	v6 =	vnsel vm1, $0x0, v6  }
0x4c: {  	(xrf0) =	vadd.scan.msk.s32 $0xffff, v7;
	s19 =	spop (v2sf)  }
0x4d: {  	_ =	sdelay $0x4  }
0x4e: {  	v7, _, _ =	vpop (xrf0)  }
0x4f: {  	(v2sf) =	vpush v7, $0xF;
	_ =	sdelay $0x4  }
0x50: {  	s16 =	sadd.s32 s16, s19;
	v8 =	vsel vm0, $0xFFFFFFFF, v3  }
0x51: {  	v9 =	vld [tilespmem:s18+$0x0];
	v8 =	vadd.s32 s16, v8  }
0x52: {  	v7 =	vadd.s32 v7, v8  }
0x53: {  	v6 =	vmin.u32 v6, $0x13F;
	_ =	sdelay $0x1  }
0x54: {  	s17 =	sadd.s32 s5, s15  }
0x55: {  	s17 =	smul.u32 $0x1F6, s17;
	v5 =	vor.u32 v9, v5  }
0x56: {  	s30 =	sshll.u32 s15, $0x4;
	s15 =	sadd.s32 $0x1, s15;
	[tilespmem:v7+s11+$0x0] =	vst.idx.msk vm0, v5  }
0x57: {  	p0 =	sne.s32 s15, $0x50;
	s17 =	sadd.s32 s4, s17;
	[tilespmem:v6+s12+$0x0] =	vst.idx.add.f32.msk vm0, v4  }
0x58: {  	[hbm4b:s17+s2] =	stream.linear.scatter [tilespmem:s11], [sflag:$0x1], $0xFB0, $0x38;
	[tilespmem:$0x3680] =	vst v63  }
.Ltmp1:
0x59: {  	s29 =	spop (v2sf);
	(pc) =	sbr.rel @p0 .LBB2_2-.Ltmp1, $4  }
0x5a: {  	_ =	swait.ge [sflag:s9], $0xFB0  }
0x5b: {  	s16 =	sadd.s32 s16, s29;
	[sflag:s9] =	ssyncset.done $0x0  }
0x5c: {  	s31 =	sand.u32 $0x3FFFFFF0, s30;
	v5 =	vmov s16;
	[sflag:s9] =	ssyncadd.s32 $0xFFFFF050  }
0x5d: {  	[tilespmem:s31+$0x3180] =	vst v5  }
0x5e: {  	[hbm4b:s6+s2] =	stream.linear.scatter [tilespmem:s13], [sflag:$0x1], $0x500, $0x38;
	[tilespmem:$0x3680] =	vst v63  }
0x5f: {  	s14 =	sadd.s32 $0x1, s14;
	_ =	swait.ge [sflag:s9], $0x500  }
0x60: {  	p0 =	sne.s32 s14, s8;
	[sflag:s9] =	ssyncset.done $0x0  }
.Ltmp2:
0x61: {  	[sflag:s9] =	ssyncadd.s32 $0xFFFFFB00;
	(pc) =	sbr.rel @p0 .LBB2_1-.Ltmp2, $4  }
0x62: {  	[hbm4b:s7+s2] =	stream.linear.scatter [tilespmem:s12], [sflag:$0x1], $0x140, $0x38;
	[tilespmem:$0x3680] =	vst v63  }
0x63: {  	_ =	swait.ge [sflag:s9], $0x140  }
0x64: {  	[sflag:s9] =	ssyncset.done $0x0  }
0x65: {  	[sflag:s9] =	ssyncadd.s32 $0xFFFFFEC0  }
0x66: {  	_ =	sfence.sel $0x180000  }
0x67: {  	[bflag:$0x0] =	sbarrier.arrive $0xFFFF  }
0x68: {  	p0 =	sne.s32 s0, $0x0;
	_ =	strace $0x90000047  }
0x69: {  	s0 =	sadd.s32 @!p0 $0x100000, s1;
	[bflag:$0x2] =	sbarrier.arrive $0xFFFF  }
0x6a: {  	[sflag:s0] =	ssyncadd.tile.s32 @!p0 $0x1;
	_ =	shalt  }
.Lfunc_end2:
_tile_overlayer_lowered:
.L_overlay_start_2:
0x6b: {  	(tag) =	ssettag $0x2  }
0x6c: {  	s0 =	rddreg [dreg:$0x0];
	s2 =	stileid.u32  }
0x6d: {  	s1 =	rddreg [dreg:$0x1];
	p0 =	sne.s32 s2, $0x0  }
0x6e: {  	s3 =	rddreg [dreg:$0x2];
	[bflag:$0x3] =	sbarrier.arrive $0xFFFF;
	s2 =	simm.s32 @!p0 $0x1C01  }
0x6f: {  	[timem:s3], [sflag:s2] =	dma.local @!p0 [hbm:s0], s1  }
0x70: {  	s0 =	simm.s32 @!p0 $0x1  }
0x71: {  	_ =	swait.ge @!p0 [sflag:s0], s1  }
0x72: {  	s1 =	ssub.s32 @!p0 $0x0, s1;
	[sflag:s0] =	ssyncset.done @!p0 $0x0  }
0x73: {  	[sflag:s0] =	ssyncadd.s32 @!p0 s1  }
0x74: {  	[bflag:$0x3] =	sbarrier.arrive $0xFFFF  }
0x75: {  	_ =	shalt  }

// kernel: kernel.9.cloned.1.call-start
scs
__scs_entry_jumppad:
0x0: {  	(pc) =	sbr.rel $0x88, $3  }
0x1: {  	(tag) =	ssettag $0x0;
	lr =	simm.s32 $0x1  }
0x2: {  	[smem:$0x3F96] =	sst lr;
	_ =	strace $0xD0000000  }
0x3: {  	_ = 	snop  }
0x4: {  	_ = 	snop  }
0x5: {  	_ = 	snop  }
0x6: {  	_ = 	snop  }
0x7: {  	_ = 	snop  }
__scs_overlays_trampoline_lowered:
0x8: {  	[smem:$0x3FA5] =	sst s0  }
0x9: {  	[smem:$0x3FA6] =	sst s1  }
0xa: {  	[smem:$0x3FA7] =	sst s2  }
0xb: {  	[smem:$0x3FA8] =	sst s3  }
0xc: {  	[smem:$0x3FA9] =	sst s4  }
0xd: {  	[smem:$0x3FAA] =	sst s5  }
0xe: {  	[smem:$0x3FAB] =	sst s6  }
0xf: {  	[smem:$0x3FAC] =	sst s7  }
0x10: {  	[smem:$0x3FAD] =	sst s8  }
0x11: {  	[smem:$0x3FAE] =	sst s9;
	s0 =	simm.s32 @!p0 $0x0  }
0x12: {  	s1 =	sld [smem:$0x3F94];
	s0 =	simm.s32 @p0 $0x1  }
0x13: {  	[smem:$0x3FAF] =	sst s0;
	s0 =	simm.s32 @!p1 $0x0  }
0x14: {  	s2 =	sld [smem:$0x3F93];
	s0 =	simm.s32 @p1 $0x1  }
0x15: {  	[smem:$0x3FB0] =	sst s0;
	s0 =	simm.s32 @!p2 $0x0  }
0x16: {  	s3 =	sld [smem:$0x3FDB];
	s0 =	simm.s32 @p2 $0x1  }
0x17: {  	s4 =	simm.s32 $0x1BF5;
	[smem:$0x3FB2] =	sst s0  }
0x18: {  	s0 =	sld [smem:$0x3F95];
	_ =	swait.ge [sflag:s4], $0x0  }
0x19: {  	s7 =	sld [smem:$0x3F96]  }
0x1a: {  	s8 =	sadd.s32 $0xFFFFE003, lr  }
0x1b: {  	s9 =	sadd.s32 $0xFFFFFEF7, lr;
	s5 =	simm.s32 $0xFFFFFFFF;
	p2 =	slt.u32 s8, $0xFFFFF086  }
0x1c: {  	p1 =	slt.u32 s9, $0xF7A;
	s5 =	simm.s32 @!p2 $0x0  }
0x1d: {  	s5 =	simm.s32 @p1 $0x1;
	p0 =	seq.s32 s7, s2  }
0x1e: {  	s7 =	smul.u32 @!p0 $0xF7A, s2;
	p2 =	seq.s32 @!p0 s5, $0x0  }
0x1f: {  	s9 =	smul.u32 $0xF7A, s1;
	s8 =	simm.s32 @!p0 $0x1BF5;
	p2 =	por !p2, p0  }
0x20: {  	[sflag:s8] =	ssyncset.s32 @!p0 $0xFFFFF086;
	s6 =	sadd.s32 @!p0 s3, s7;
	s7 =	simm.s32 @!p0 $0x108  }
0x21: {  	s3 =	sadd.s32 s3, s9;
	s6 =	sadd.s32 @!p0 $0x88, s6;
	s7 =	simm.s32 @p2 $0x1082  }
0x22: {  	[simem:s7], [sflag:s8] =	dma.local @!p0 [hbm:s6], $0xF7A  }
0x23: {  	s9 =	sor.u32 $0xD0000000, s2;
	s6 =	simm.s32 $0x108;
	_ =	swait.ge @!p0 [sflag:s8], $0x0  }
0x24: {  	s3 =	sadd.s32 $0x88, s3;
	s6 =	simm.s32 @!p1 $0x1082;
	[sflag:s4] =	ssyncset.s32 $0xFFFFF086  }
0x25: {  	[simem:s6], [sflag:s4] =	dma.local [hbm:s3], $0xF7A  }
0x26: {  	[smem:$0x3F96] =	sst s1;
	(tag) =	ssettag s2;
	_ =	strace s9  }
0x27: {  	s1 =	sld [smem:$0x3FA6]  }
0x28: {  	s2 =	sld [smem:$0x3FA7]  }
0x29: {  	s4 =	sld [smem:$0x3FA9]  }
0x2a: {  	p0 =	seq.s32 s5, $0x0;
	s5 =	sld [smem:$0x3FAA]  }
0x2b: {  	s6 =	sld [smem:$0x3FAB]  }
0x2c: {  	s7 =	sld [smem:$0x3FAC]  }
0x2d: {  	s3 =	simm.s32 $0x108;
	s8 =	sld [smem:$0x3FAD]  }
0x2e: {  	s3 =	simm.s32 @!p0 $0x1082;
	s9 =	sld [smem:$0x3FAE]  }
0x2f: {  	lr =	sadd.s32 s0, s3;
	s0 =	sld [smem:$0x3FA5]  }
0x30: {  	s3 =	sld [smem:$0x3FA8]  }
0x31: {  	[smem:$0x3FB1] =	sst s10  }
0x32: {  	s10 =	sld [smem:$0x3FAF];
	_ =	sdelay $0x3  }
0x33: {  	p0 =	seq.s32 s10, $0x1;
	s10 =	sld [smem:$0x3FB1];
	_ =	sdelay $0x3  }
0x34: {  	[smem:$0x3FB1] =	sst s10  }
0x35: {  	s10 =	sld [smem:$0x3FB0];
	_ =	sdelay $0x3  }
0x36: {  	p1 =	seq.s32 s10, $0x1;
	s10 =	sld [smem:$0x3FB1];
	_ =	sdelay $0x3  }
0x37: {  	[smem:$0x3FB1] =	sst s10  }
0x38: {  	s10 =	sld [smem:$0x3FB2]  }
0x39: {  	_ = 	snop;
	(pc) =	sbr.ind lr, $3  }
0x3a: {  	_ = 	snop  }
0x3b: {  	_ = 	snop  }
0x3c: {  	p2 =	seq.s32 s10, $0x1;
	s10 =	sld [smem:$0x3FB1]  }
0x3d: {  	_ =	shalt  }
0x3e: {  	_ =	shalt  }
0x3f: {  	_ =	shalt  }
0x40: {  	_ =	shalt  }
0x41: {  	_ =	shalt  }
0x42: {  	_ =	shalt  }
0x43: {  	_ =	shalt  }
0x44: {  	_ =	shalt  }
0x45: {  	_ =	shalt  }
0x46: {  	_ =	shalt  }
0x47: {  	_ =	shalt  }
0x48: {  	_ =	shalt  }
0x49: {  	_ =	shalt  }
0x4a: {  	_ =	shalt  }
0x4b: {  	_ =	shalt  }
0x4c: {  	_ =	shalt  }
0x4d: {  	_ =	shalt  }
0x4e: {  	_ =	shalt  }
0x4f: {  	_ =	shalt  }
0x50: {  	_ =	shalt  }
0x51: {  	_ =	shalt  }
0x52: {  	_ =	shalt  }
0x53: {  	_ =	shalt  }
0x54: {  	_ =	shalt  }
0x55: {  	_ =	shalt  }
0x56: {  	_ =	shalt  }
0x57: {  	_ =	shalt  }
0x58: {  	_ =	shalt  }
0x59: {  	_ =	shalt  }
0x5a: {  	_ =	shalt  }
0x5b: {  	_ =	shalt  }
0x5c: {  	_ =	shalt  }
0x5d: {  	_ =	shalt  }
0x5e: {  	_ =	shalt  }
0x5f: {  	_ =	shalt  }
0x60: {  	_ =	shalt  }
0x61: {  	_ =	shalt  }
0x62: {  	_ =	shalt  }
0x63: {  	_ =	shalt  }
0x64: {  	_ =	shalt  }
0x65: {  	_ =	shalt  }
0x66: {  	_ =	shalt  }
0x67: {  	_ =	shalt  }
0x68: {  	_ =	shalt  }
0x69: {  	_ =	shalt  }
0x6a: {  	_ =	shalt  }
0x6b: {  	_ =	shalt  }
0x6c: {  	_ =	shalt  }
0x6d: {  	_ =	shalt  }
0x6e: {  	_ =	shalt  }
0x6f: {  	_ =	shalt  }
0x70: {  	_ =	shalt  }
0x71: {  	_ =	shalt  }
0x72: {  	_ =	shalt  }
0x73: {  	_ =	shalt  }
0x74: {  	_ =	shalt  }
0x75: {  	_ =	shalt  }
0x76: {  	_ =	shalt  }
0x77: {  	_ =	shalt  }
0x78: {  	_ =	shalt  }
0x79: {  	_ =	shalt  }
0x7a: {  	_ =	shalt  }
0x7b: {  	_ =	shalt  }
0x7c: {  	_ =	shalt  }
0x7d: {  	_ =	shalt  }
0x7e: {  	_ =	shalt  }
0x7f: {  	_ =	shalt  }
0x80: {  	_ =	shalt  }
0x81: {  	_ =	shalt  }
0x82: {  	_ =	shalt  }
0x83: {  	_ =	shalt  }
0x84: {  	_ =	shalt  }
0x85: {  	_ =	shalt  }
0x86: {  	_ =	shalt  }
0x87: {  	_ =	shalt  }
.Lfunc_end0:
.L_simem_size_0:
called_computation.1_lowered:
.L_overlay_start_0:
0x88: {  	s2 =	sld [smem:$0x3FD9]  }
0x89: {  	s3 =	sld [smem:$0x3FFE];
	_ =	sdelay $0x1  }
0x8a: {  	s1 =	srdreg.scid  }
0x8b: {  	s0 =	sand.u32 $0x1, s1  }
0x8c: {  	s17 =	sshll.u32 s0, $0xA;
	s2 =	sadd.s32 s3, s2  }
0x8d: {  	s2 =	sadd.s32 s2, s17  }
0x8e: {  	[smem:$0x3FBD] =	sst s2  }
0x8f: {  	_ = 	snop  }
0x90: {  	s2 =	sld [smem:$0x3FC4];
	(tm) =	ssettm $0x1  }
0x91: {  	s18 =	sld [smem:$0x3FFB];
	_ =	sdelay $0x3  }
0x92: {  	_ =	strace s18  }
0x93: {  	s3 =	sld [smem:$0x3FFC];
	_ =	sdelay $0x3  }
0x94: {  	_ =	strace s3  }
0x95: {  	s3 =	sld [smem:$0x3FFD];
	_ =	sdelay $0x3  }
0x96: {  	_ =	strace s3  }
0x97: {  	_ =	strace $0x8FFFFFFF  }
0x98: {  	s19 =	sld [smem:$0x3FDB];
	_ =	sdelay $0x1  }
0x99: {  	s4 =	simm.s32 $_scs_section_size  }
0x9a: {  	s5 =	simm.s32 $_size__tile_overlayer_lowered;
	s6 =	simm.s32 $_tile_overlayer_lowered  }
0x9b: {  	s22 =	simm.s32 $0x1BFF;
	s21 =	sshll.u32 s6, $0x1;
	s3 =	sadd.s32 s4, s19  }
0x9c: {  	s7 =	simm.s32 $0x0;
	s20 =	sshll.u32 s5, $0x1;
	s5 =	sadd.s32 s21, s3  }
0x9d: {  	[timem:s7], [sflag:s22] =	dma.local [hbm:s5], s20  }
0x9e: {  	_ =	swait.ge [sflag:s22], s20  }
0x9f: {  	s4 =	ssub.s32 $0x0, s20;
	[sflag:s22] =	ssyncset.done $0x0  }
0xa0: {  	[sflag:s22] =	ssyncadd.s32 s4;
	_ =	sdelay $0x1  }
0xa1: {  	s23 =	simm.s32 $0x1B8B  }
0xa2: {  	_ =	swait.ge [sflag:s23], $0x1  }
0xa3: {  	[sflag:s23] =	ssyncset.done $0x0  }
0xa4: {  	s25 =	simm.s32 $0x1B8E;
	s24 =	sld [smem:$0x3FFE];
	[sflag:s23] =	ssyncadd.s32 $0xFFFFFFFF  }
0xa5: {  	s26 =	simm.s32 $execute0_lowered;
	[smem:$0x3FD2] =	sst s25  }
0xa6: {  	s5 =	sshll.u32 s26, $0x1;
	_ =	strace $0x80000049;
	[dreg:$0x1] =	wrdreg $0xFFFFFFFF  }
0xa7: {  	s28 =	simm.s32 $_size_execute0_lowered;
	s3 =	sadd.s32 s3, s5;
	[dreg:$0x0] =	wrdreg $0x0  }
0xa8: {  	s5 =	sshll.u32 s28, $0x1;
	[dreg:$0x2] =	wrdreg s3  }
0xa9: {  	[dreg:$0x3] =	wrdreg s5  }
0xaa: {  	[dreg:$0x4] =	wrdreg $0xC0  }
0xab: {  	_ =	task [dreg:s7], $0x5FFFF  }
0xac: {  	[dreg:$0x1] =	wrdreg $0xFFFFFFFF  }
0xad: {  	[dreg:$0x0] =	wrdreg $0x60  }
0xae: {  	[dreg:$0x2] =	wrdreg s24  }
0xaf: {  	[dreg:$0x3] =	wrdreg s2  }
0xb0: {  	[dreg:$0x4] =	wrdreg $0x9  }
0xb1: {  	_ =	task.clear_ibuf [dreg:s7], $0x5FFFF;
	_ =	strace $0x90000049  }
0xb2: {  	s29 =	simm.s32 $0x9;
	_ =	strace $0x8000004B  }
0xb3: {  	_ =	swait.ge [sflag:s29], $0x1  }
0xb4: {  	[sflag:s29] =	ssyncadd.s32 $0xFFFFFFFF  }
0xb5: {  	_ =	strace $0x9000004B  }
0xb6: {  	_ =	sfence  }
0xb7: {  	s30 =	sld [smem:$0x0];
	_ =	sdelay $0x2  }
0xb8: {  	s31 =	sshll.u32 s1, $0xD;
	s1 =	sshrl.u32 s1, $0x2  }
0xb9: {  	s3 =	sand.u32 $0x4000, s31;
	s1 =	sadd.s32 s1, s30  }
0xba: {  	s0 =	sor.u32 s3, s0;
	s1 =	sshll.u32 s1, $0x11  }
0xbb: {  	s0 =	sor.u32 s1, s0  }
0xbc: {  	s0 =	sadd.s32 $0x8F2B, s0  }
0xbd: {  	[sflag:s0] =	ssyncadd.remote.s32 $0x1  }
0xbe: {  	_ =	sfence.sel $0xFFFF  }
0xbf: {  	[dreg:$0x0] =	wrdreg $0xFFFFFFFF;
	(pc) =	sbr.abs _section_cstart, $3  }
0xc0: {  	[dreg:$0x1] =	wrdreg $0xFFFFFFFF  }
0xc1: {  	_ =	task.clear_ibuf [dreg:s7], $0x2FFFF;
	_ =	strace $0x9FFFFFFF  }
0xc2: {  	(tm) =	ssettm $0x7FFFFFFF  }
0xc3: {  	_ =	shalt  }
tec
execute0_lowered:
.L_overlay_start_1:
0x0: {  	(tag) =	ssettag $0x1  }
0x1: {  	s1 =	rddreg [dreg:$0x0]  }
0x2: {  	s3 =	srdreg.scid;
	s0 =	stileid.u32  }
0x3: {  	s2 =	rddreg [dreg:$0x1];
	s13 =	simm.s32 $0x2;
	s14 =	simm.s32 $0x5500  }
0x4: {  	s15 =	simm.s32 $0x5680;
	s16 =	simm.s32 $0x1;
	s17 =	simm.s32 $0x40  }
0x5: {  	s18 =	simm.s32 $0x3000;
	s7 =	sand.u32 $0x1, s3;
	s4 =	sshll.u32 s0, $0x1  }
0x6: {  	s19 =	simm.s32 $0x5700;
	s20 =	simm.s32 $0x0;
	s9 =	sor.u32 s7, s4  }
0x7: {  	s3 =	simm.s32 $0x0;
	s5 =	sadd.s32 $0x16800, s1;
	s6 =	smul.u32 $0xA0, s9  }
0x8: {  	[smem:$0x7FF] =	sst s3;
	s7 =	ssub.s32 $0x2, s7;
	s4 =	smul.u32 $0x140, s9  }
0x9: {  	_ =	strace $0x8000004A;
	s10 =	smul.u32 $0x1400, s9;
	s31 =	sshrl.u32 s7, $0x1  }
0xa: {  	s9 =	smul.u32 $0x50, s9;
	s12 =	ssub.s32 s7, s31;
	s11 =	sshrl.u32 s4, $0x3  }
0xb: {  	s8 =	sadd.s32 s6, s1;
	s6 =	sadd.s32 $0x151800, s1;
	s11 =	sadd.s32 s11, s1  }
0xc: {  	s1 =	sadd.s32 s10, s1;
	s7 =	sadd.s32 $0x150400, s8;
	s8 =	sadd.s32 $0x2800, s11  }
0xd: {  	v0 =	vimm.f32 $0.0e+00;
	s10 =	sadd.s32 $0x179800, s1;
	s11 =	smax.u32 s12, $0x1;
	s12 =	simm.s32 $0x5000  }
.LBB2_1:
0xe: {  	s1 =	simm.s32 $0x0;
	s21 =	simm.s32 $0x200  }
.LBB2_2:
0xf: {  	p0 =	sne.s32 s21, $0x27E00;
	[tilespmem:s1+$0x5770] =	vst v0  }
0x10: {  	[tilespmem:s1+$0x5700] =	vst v0  }
0x11: {  	[tilespmem:s1+$0x5710] =	vst v0  }
.Ltmp0:
0x12: {  	[tilespmem:s1+$0x5720] =	vst v0;
	(pc) =	sbr.rel @p0 .LBB2_2-.Ltmp0, $4  }
0x13: {  	[tilespmem:s1+$0x5730] =	vst v0  }
0x14: {  	[tilespmem:s1+$0x5740] =	vst v0  }
0x15: {  	[tilespmem:s1+$0x5750] =	vst v0  }
0x16: {  	[tilespmem:s1+$0x5760] =	vst v0;
	s1 =	sshra.s32 s21, $0x2;
	s21 =	sadd.s32 $0x200, s21  }
0x17: {  	[tilespmem:s1+$0x5770] =	vst v0  }
0x18: {  	[tilespmem:s1+$0x5700] =	vst v0  }
0x19: {  	[tilespmem:s1+$0x5710] =	vst v0  }
0x1a: {  	[tilespmem:s1+$0x5720] =	vst v0  }
0x1b: {  	[tilespmem:s1+$0x5730] =	vst v0  }
0x1c: {  	[tilespmem:s1+$0x5740] =	vst v0  }
0x1d: {  	[tilespmem:s1+$0x5750] =	vst v0  }
0x1e: {  	[tilespmem:s1+$0x5760] =	vst v0;
	s21 =	simm.s32 $0x0  }
0x1f: {  	[tilespmem:s12], [sflag:$0x2] =	stream.linear.gather [hbm4b:s7+s21], $0x500, $0x38;
	[tilespmem:$0xF700] =	vst v63  }
0x20: {  	_ =	swait.ge [sflag:s13], $0x500  }
0x21: {  	[sflag:s13] =	ssyncset.done $0x0  }
0x22: {  	[sflag:s13] =	ssyncadd.s32 $0xFFFFFB00  }
0x23: {  	[tilespmem:s14], [sflag:$0x2] =	stream.linear.gather [hbm4b:s8+s21], $0x140, $0x38;
	[tilespmem:$0xF700] =	vst v63  }
0x24: {  	_ =	swait.ge [sflag:s13], $0x140  }
0x25: {  	[sflag:s13] =	ssyncset.done $0x0  }
.Ltmp1:
0x26: {  	[sflag:s13] =	ssyncadd.s32 $0xFFFFFEC0;
	(pc) =	sbr.rel .LBB2_4-.Ltmp1, $4  }
0x27: {  	[tilespmem:s15], [sflag:$0x2] =	stream.linear.gather [hbm4b:s2+s21], $0x80, $0x38;
	[tilespmem:$0xF700] =	vst v63  }
0x28: {  	_ =	swait.ge [sflag:s13], $0x80  }
0x29: {  	[sflag:s13] =	ssyncset.done $0x0  }
0x2a: {  	s22 =	simm.s32 $0x0;
	[sflag:s13] =	ssyncadd.s32 $0xFFFFFF80  }
.LBB2_21:
0x2b: {  	s22 =	sadd.s32 $0x1, s22  }
0x2c: {  	p0 =	sne.s32 s22, $0x50  }
.Ltmp2:
0x2d: {  	_ = 	snop;
	(pc) =	sbr.rel @!p0 .LBB2_22-.Ltmp2, $1  }
0x2e: {  	_ =	sdelay $0x3  }
.LBB2_4:
0x2f: {  	s1 =	sshll.u32 s22, $0x4  }
0x30: {  	s1 =	sand.u32 $0x3FFFFFF0, s1  }
0x31: {  	v1 =	vld [tilespmem:s1+$0x5000];
	_ =	sdelay $0x4  }
0x32: {  	(v2sf) =	vpush v1, $0x0;
	_ =	sdelay $0x9  }
0x33: {  	s29 =	sadd.s32 s9, s22  }
0x34: {  	s1 =	smul.u32 $0x1F6, s29;
	_ =	sdelay $0x1  }
0x35: {  	s1 =	sadd.s32 s5, s1  }
0x36: {  	[tilespmem:s21], [sflag:$0x2] =	stream.linear.gather [hbm4b:s1+s21], $0xFB0, $0x38;
	[tilespmem:$0xF700] =	vst v63  }
0x37: {  	s23 =	spop (v2sf)  }
0x38: {  	s30 =	sadd.s32 $0xF, s23  }
0x39: {  	s24 =	sand.u32 $0xF, s30  }
0x3a: {  	s31 =	sshra.s32 s30, $0x1F;
	p1 =	slt.s32 s30, $0x1;
	p0 =	sne.s32 s24, $0x0  }
0x3b: {  	s24 =	sshrl.u32 s31, $0x1C;
	p0 =	por !p1, !p0  }
0x3c: {  	s1 =	sadd.s32 s24, s30;
	s24 =	simm.s32 $0x1;
	p0 =	por !p0, !p0  }
0x3d: {  	s1 =	sshra.s32 s1, $0x4;
	s24 =	simm.s32 @!p0 $0x0  }
0x3e: {  	s25 =	ssub.s32 s1, s24  }
0x3f: {  	p0 =	slt.s32 s25, $0x1  }
.Ltmp3:
0x40: {  	_ = 	snop;
	(pc) =	sbr.rel @p0 .LBB2_11-.Ltmp3, $4  }
0x41: {  	_ = 	snop  }
0x42: {  	_ =	swait.ge [sflag:s13], $0xFB0  }
0x43: {  	[sflag:s13] =	ssyncset.done $0x0  }
0x44: {  	[sflag:s13] =	ssyncadd.s32 $0xFFFFF050  }
0x45: {  	p1 =	sne.s32 s25, $0x1  }
.Ltmp4:
0x46: {  	_ = 	snop;
	(pc) =	sbr.rel @!p1 .LBB2_6-.Ltmp4, $3  }
0x47: {  	_ =	sdelay $0x1  }
0x48: {  	s1 =	simm.s32 $0x1000  }
0x49: {  	s24 =	simm.s32 $0x2000;
	v1 =	vld [tilespmem:s21+$0x0];
	s25 =	sadd.s32 $0xFFFFFFFF, s25;
	p0 =	por $0x0, $0x0  }
0x4a: {  	_ =	sdelay $0x3  }
0x4b: {  	p1 =	sne.s32 s25, $0x1;
	v2 =	vand.u32 $0x3FFF, v1  }
.Ltmp5:
0x4c: {  	v1 =	vshrl.u32 v1, $0xE;
	v2 =	vmin.u32 v2, $0x27FF;
	(pc) =	sbr.rel @!p1 .LBB2_8-.Ltmp5, $4  }
0x4d: {  	v1 =	vmin.u32 v1, $0x13F;
	[tilespmem:s1+$0x0] =	vst v2  }
0x4e: {  	s28 =	simm.s32 $0x10;
	[tilespmem:s24+$0x0] =	vst v1  }
0x4f: {  	s29 =	sadd.s32 $0xFFFFFFFF, s25;
	v1 =	vld [tilespmem:s28+$0x0]  }
0x50: {  	p0 =	por $0x1, $0x1;
	s26 =	simm.s32 $0x1000;
	s25 =	simm.s32 $0x2000  }
.LBB2_9:
0x51: {  	p1 =	sne.s32 s29, $0x1;
	_ =	sdelay $0x2  }
0x52: {  	v2 =	vand.u32 $0x3FFF, v1;
	v1 =	vshrl.u32 v1, $0xE  }
.Ltmp6:
0x53: {  	s26 =	sadd.s32 $0x10, s26;
	v2 =	vmin.u32 v2, $0x27FF;
	(pc) =	sbr.rel @p1 .LBB2_9-.Ltmp6, $4  }
0x54: {  	s25 =	sadd.s32 $0x10, s25;
	v1 =	vmin.u32 v1, $0x13F;
	[tilespmem:s26+$0x0] =	vst v2  }
0x55: {  	s28 =	sadd.s32 $0x10, s28;
	[tilespmem:s25+$0x0] =	vst v1  }
0x56: {  	v1 =	vld [tilespmem:s28+$0x0]  }
0x57: {  	s29 =	sadd.s32 $0xFFFFFFFF, s29  }
.LBB2_10:
0x58: {  	_ =	sdelay $0x2  }
0x59: {  	s26 =	sadd.s32 @p0 $0x10, s26;
	v2 =	vand.u32 $0x3FFF, v1  }
0x5a: {  	s25 =	sadd.s32 @p0 $0x10, s25;
	s1 =	smov.u32 @p0 s26;
	v1 =	vshrl.u32 v1, $0xE;
	v2 =	vmin.u32 v2, $0x27FF  }
0x5b: {  	s24 =	smov.u32 @p0 s25;
	v1 =	vmin.u32 v1, $0x13F;
	[tilespmem:s1+$0x0] =	vst v2  }
0x5c: {  	[tilespmem:s24+$0x0] =	vst v1  }
.LBB2_11:
0x5d: {  	s1 =	sadd.s32 $0x3F, s23  }
0x5e: {  	s24 =	sand.u32 $0x3F, s1  }
0x5f: {  	s25 =	sshra.s32 s1, $0x1F;
	p0 =	slt.s32 s1, $0x1;
	p1 =	sne.s32 s24, $0x0  }
0x60: {  	s31 =	sshrl.u32 s25, $0x1A;
	p0 =	por !p0, !p1  }
0x61: {  	s24 =	simm.s32 $0x1;
	s1 =	sadd.s32 s31, s1;
	p0 =	por !p0, !p0  }
0x62: {  	s1 =	sshra.s32 s1, $0x6;
	s24 =	simm.s32 @!p0 $0x0  }
0x63: {  	s24 =	ssub.s32 s1, s24  }
0x64: {  	p0 =	slt.s32 s24, $0x1  }
.Ltmp7:
0x65: {  	_ = 	snop;
	(pc) =	sbr.rel @p0 .LBB2_21-.Ltmp7, $1  }
0x66: {  	_ =	sdelay $0x3  }
.Ltmp8:
0x67: {  	(pc) =	sbr.rel .LBB2_13-.Ltmp8, $2  }
0x68: {  	_ =	sdelay $0x2  }
0x69: {  	s25 =	simm.s32 $0x0;
	s26 =	simm.s32 $0x2000;
	s28 =	smov.u32 s23  }
.LBB2_15:
0x6a: {  	s30 =	simm.s32 $0x3040  }
.LBB2_19:
0x6b: {  	(v2sf) =	vpush v1, $0x0;
	_ =	sdelay $0xa  }
0x6c: {  	s0 =	sadd.s32 @p0 $0x80, s30  }
0x6d: {  	s29 =	smov.u32 @p0 s0  }
0x6e: {  	v1 =	vld [tilespmem:s29+$0xFFFFFFC0];
	_ =	sdelay $0x1  }
0x6f: {  	s31 =	spop (v2sf)  }
0x70: {  	s0 =	sshll.u32 s31, $0x9  }
0x71: {  	s0 =	sshra.s32 s0, $0x2  }
0x72: {  	[tilespmem:s0+$0x5700] =	vst.add.f32.msk $0xffff, v1  }
0x73: {  	v1 =	vld [tilespmem:s29+$0xFFFFFFD0];
	_ =	sdelay $0x4  }
0x74: {  	[tilespmem:s0+$0x5710] =	vst.add.f32.msk $0xffff, v1  }
0x75: {  	v1 =	vld [tilespmem:s29+$0xFFFFFFE0];
	_ =	sdelay $0x4  }
0x76: {  	[tilespmem:s0+$0x5720] =	vst.add.f32.msk $0xffff, v1  }
0x77: {  	v1 =	vld [tilespmem:s29+$0xFFFFFFF0];
	_ =	sdelay $0x4  }
0x78: {  	[tilespmem:s0+$0x5730] =	vst.add.f32.msk $0xffff, v1  }
0x79: {  	v1 =	vld [tilespmem:s29+$0x0];
	_ =	sdelay $0x4  }
0x7a: {  	[tilespmem:s0+$0x5740] =	vst.add.f32.msk $0xffff, v1  }
0x7b: {  	v1 =	vld [tilespmem:s29+$0x10];
	_ =	sdelay $0x4  }
0x7c: {  	[tilespmem:s0+$0x5750] =	vst.add.f32.msk $0xffff, v1  }
0x7d: {  	v1 =	vld [tilespmem:s29+$0x20];
	_ =	sdelay $0x4  }
0x7e: {  	[tilespmem:s0+$0x5760] =	vst.add.f32.msk $0xffff, v1  }
0x7f: {  	v1 =	vld [tilespmem:s29+$0x30];
	_ =	sdelay $0x4  }
0x80: {  	[tilespmem:s0+$0x5770] =	vst.add.f32.msk $0xffff, v1  }
.LBB2_20:
0x81: {  	s25 =	sadd.s32 $0x1, s25  }
0x82: {  	p0 =	sne.s32 s25, s24  }
.Ltmp9:
0x83: {  	_ = 	snop;
	(pc) =	sbr.rel @!p0 .LBB2_21-.Ltmp9, $2  }
0x84: {  	_ =	sdelay $0x2  }
0x85: {  	s28 =	sadd.s32 $0xFFFFFFC0, s28;
	s26 =	sadd.s32 $0x40, s26  }
.LBB2_13:
0x86: {  	s1 =	sshll.u32 s25, $0x6  }
0x87: {  	s29 =	sadd.s32 $0x1000, s1;
	s1 =	ssub.s32 s23, s1  }
0x88: {  	p0 =	slt.s32 s1, $0x1  }
.Ltmp10:
0x89: {  	_ = 	snop;
	(pc) =	sbr.rel @p0 .LBB2_20-.Ltmp10, $4  }
0x8a: {  	[tilespmem:s18], [sflag:$0x1] =	stream.indirect.gather [hbm4b:s6+s17], $0x80, s29, s17, $0xb8;
	[tilespmem:$0xF700] =	vst v63  }
0x8b: {  	_ =	swait.ge [sflag:s16], $0x2000  }
0x8c: {  	[sflag:s16] =	ssyncset.done $0x0  }
0x8d: {  	[sflag:s16] =	ssyncadd.s32 $0xFFFFE000  }
0x8e: {  	p0 =	sgt.s32 s28, $0x1;
	s1 =	smov.u32 s28  }
0x8f: {  	s1 =	simm.s32 @!p0 $0x1  }
0x90: {  	s1 =	smin.u32 s1, $0x40  }
0x91: {  	p1 =	sne.s32 s1, $0x1  }
.Ltmp11:
0x92: {  	v1 =	vld [tilespmem:s26+$0x0];
	(pc) =	sbr.rel @!p1 .LBB2_15-.Ltmp11, $2  }
0x93: {  	_ =	sdelay $0x2  }
0x94: {  	s29 =	simm.s32 $0x3040;
	p0 =	por $0x0, $0x0;
	s1 =	sadd.s32 $0xFFFFFFFF, s1  }
0x95: {  	(v2sf) =	vpush v1, $0x0;
	_ =	sdelay $0xc  }
0x96: {  	v1 =	vld [tilespmem:s29+$0xFFFFFFC0];
	_ =	sdelay $0x1  }
0x97: {  	s30 =	spop (v2sf)  }
0x98: {  	s30 =	sshll.u32 s30, $0x9  }
0x99: {  	s30 =	sshra.s32 s30, $0x2  }
0x9a: {  	[tilespmem:s30+$0x5700] =	vst.add.f32.msk $0xffff, v1  }
0x9b: {  	v1 =	vld [tilespmem:s29+$0xFFFFFFD0];
	_ =	sdelay $0x4  }
0x9c: {  	[tilespmem:s30+$0x5710] =	vst.add.f32.msk $0xffff, v1  }
0x9d: {  	v1 =	vld [tilespmem:s29+$0xFFFFFFE0];
	_ =	sdelay $0x4  }
0x9e: {  	[tilespmem:s30+$0x5720] =	vst.add.f32.msk $0xffff, v1  }
0x9f: {  	v1 =	vld [tilespmem:s29+$0xFFFFFFF0];
	_ =	sdelay $0x4  }
0xa0: {  	[tilespmem:s30+$0x5730] =	vst.add.f32.msk $0xffff, v1  }
0xa1: {  	v1 =	vld [tilespmem:s29+$0x0];
	_ =	sdelay $0x4  }
0xa2: {  	[tilespmem:s30+$0x5740] =	vst.add.f32.msk $0xffff, v1  }
0xa3: {  	v1 =	vld [tilespmem:s29+$0x10];
	_ =	sdelay $0x4  }
0xa4: {  	[tilespmem:s30+$0x5750] =	vst.add.f32.msk $0xffff, v1  }
0xa5: {  	v1 =	vld [tilespmem:s29+$0x20];
	_ =	sdelay $0x4  }
0xa6: {  	[tilespmem:s30+$0x5760] =	vst.add.f32.msk $0xffff, v1  }
0xa7: {  	v1 =	vld [tilespmem:s29+$0x30];
	_ =	sdelay $0x4  }
0xa8: {  	p1 =	sne.s32 s1, $0x1;
	s31 =	sadd.s32 $0x1, s26;
	[tilespmem:s30+$0x5770] =	vst.add.f32.msk $0xffff, v1  }
.Ltmp12:
0xa9: {  	v1 =	vld [tilespmem:s31+$0x0];
	(pc) =	sbr.rel @!p1 .LBB2_17-.Ltmp12, $2  }
0xaa: {  	_ =	sdelay $0x2  }
0xab: {  	s1 =	sadd.s32 $0xFFFFFFFF, s1;
	p0 =	por $0x1, $0x1;
	s30 =	simm.s32 $0x3040  }
.LBB2_18:
0xac: {  	p1 =	sne.s32 s1, $0x1;
	_ =	sdelay $0x3  }
0xad: {  	(v2sf) =	vpush v1, $0x0;
	_ =	sdelay $0xb  }
0xae: {  	s30 =	sadd.s32 $0x80, s30  }
0xaf: {  	v1 =	vld [tilespmem:s30+$0xFFFFFFC0];
	_ =	sdelay $0x1  }
0xb0: {  	s0 =	spop (v2sf)  }
0xb1: {  	s0 =	sshll.u32 s0, $0x9  }
0xb2: {  	s0 =	sshra.s32 s0, $0x2  }
0xb3: {  	[tilespmem:s0+$0x5700] =	vst.add.f32.msk $0xffff, v1  }
0xb4: {  	v1 =	vld [tilespmem:s30+$0xFFFFFFD0];
	_ =	sdelay $0x4  }
0xb5: {  	[tilespmem:s0+$0x5710] =	vst.add.f32.msk $0xffff, v1  }
0xb6: {  	v1 =	vld [tilespmem:s30+$0xFFFFFFE0];
	_ =	sdelay $0x4  }
0xb7: {  	[tilespmem:s0+$0x5720] =	vst.add.f32.msk $0xffff, v1  }
0xb8: {  	v1 =	vld [tilespmem:s30+$0xFFFFFFF0];
	_ =	sdelay $0x4  }
0xb9: {  	[tilespmem:s0+$0x5730] =	vst.add.f32.msk $0xffff, v1  }
0xba: {  	v1 =	vld [tilespmem:s30+$0x0];
	_ =	sdelay $0x4  }
0xbb: {  	[tilespmem:s0+$0x5740] =	vst.add.f32.msk $0xffff, v1  }
0xbc: {  	v1 =	vld [tilespmem:s30+$0x10];
	_ =	sdelay $0x4  }
0xbd: {  	[tilespmem:s0+$0x5750] =	vst.add.f32.msk $0xffff, v1  }
0xbe: {  	v1 =	vld [tilespmem:s30+$0x20];
	_ =	sdelay $0x4  }
0xbf: {  	[tilespmem:s0+$0x5760] =	vst.add.f32.msk $0xffff, v1  }
0xc0: {  	v1 =	vld [tilespmem:s30+$0x30];
	_ =	sdelay $0x1  }
.Ltmp13:
0xc1: {  	(pc) =	sbr.rel @p1 .LBB2_18-.Ltmp13, $3  }
0xc2: {  	_ =	sdelay $0x1  }
0xc3: {  	s31 =	sadd.s32 $0x1, s31;
	[tilespmem:s0+$0x5770] =	vst.add.f32.msk $0xffff, v1  }
0xc4: {  	s1 =	sadd.s32 $0xFFFFFFFF, s1;
	v1 =	vld [tilespmem:s31+$0x0]  }
.Ltmp14:
0xc5: {  	_ = 	snop;
	(pc) =	sbr.rel .LBB2_19-.Ltmp14, $1  }
0xc6: {  	_ =	sdelay $0x3  }
.LBB2_17:
.Ltmp15:
0xc7: {  	(pc) =	sbr.rel .LBB2_19-.Ltmp15, $2  }
0xc8: {  	_ =	sdelay $0x2  }
0xc9: {  	s30 =	simm.s32 $0x3040  }
.LBB2_6:
.Ltmp16:
0xca: {  	(pc) =	sbr.rel .LBB2_10-.Ltmp16, $2  }
0xcb: {  	_ =	sdelay $0x2  }
0xcc: {  	s26 =	simm.s32 $0x1000;
	s25 =	simm.s32 $0x2000  }
.LBB2_8:
.Ltmp17:
0xcd: {  	(pc) =	sbr.rel .LBB2_10-.Ltmp17, $2  }
0xce: {  	_ =	sdelay $0x2  }
0xcf: {  	s26 =	simm.s32 $0x1000;
	s25 =	simm.s32 $0x2000  }
.LBB2_22:
0xd0: {  	s21 =	simm.s32 $0x0  }
0xd1: {  	s22 =	simm.s32 $0x5500;
	s23 =	simm.s32 $0x5740;
	s24 =	simm.s32 $0x0  }
.LBB2_23:
0xd2: {  	s0 =	sshll.u32 s24, $0x6  }
0xd3: {  	s0 =	sadd.s32 s4, s0  }
0xd4: {  	s0 =	sshll.u32 s0, $0x4  }
0xd5: {  	v1 =	vmov s23;
	s0 =	sadd.s32 s6, s0  }
0xd6: {  	[tilespmem:s18], [sflag:$0x2] =	stream.linear.gather [hbm4b:s0+s21], $0x2000, $0x38;
	[tilespmem:$0xF700] =	vst v63  }
0xd7: {  	_ =	swait.ge [sflag:s13], $0x2000  }
0xd8: {  	[sflag:s13] =	ssyncset.done $0x0  }
0xd9: {  	s25 =	simm.s32 $0x0;
	[sflag:s13] =	ssyncadd.s32 $0xFFFFE000  }
0xda: {  	v2 =	vld.idx.msk [tilespmem:v1+s25+$0xFFFFFFC0 ss:$0x1], $0xffff  }
0xdb: {  	v3 =	vld [tilespmem:s25+$0x3000];
	_ =	sdelay $0x1  }
0xdc: {  	v4 =	vld.msk [tilespmem:s22+$0x0 ss:$0x0], $0xffff;
	_ =	sdelay $0x1  }
0xdd: {  	v5 =	vld [tilespmem:$0x5680]  }
0xde: {  	v2 =	vadd.f32 v3, v2;
	_ =	sdelay $0x1  }
0xdf: {  	v2 =	vmul.f32 v2, v4;
	_ =	sdelay $0x1  }
0xe0: {  	v2 =	vadd.f32 v2, v5;
	_ =	sdelay $0x1  }
0xe1: {  	v3 =	vmin.f32 v2, $0.0e+00  }
0xe2: {  	v3 =	vmul.f32 $2.000000030e-01, v3  }
0xe3: {  	v2 =	vmax.f32 v2, $0.0e+00  }
0xe4: {  	v2 =	vadd.f32 v3, v2;
	_ =	sdelay $0x1  }
0xe5: {  	[tilespmem:v1+s25+$0xFFFFFFC0 ss:$0x1] =	vst.idx.msk $0xffff, v2  }
0xe6: {  	v2 =	vld.idx.msk [tilespmem:v1+s25+$0xFFFFFFD0 ss:$0x1], $0xffff  }
0xe7: {  	v3 =	vld [tilespmem:s25+$0x3010];
	_ =	sdelay $0x3  }
0xe8: {  	v57 =	vld [tilespmem:$0x5690]  }
0xe9: {  	v2 =	vadd.f32 v3, v2;
	_ =	sdelay $0x1  }
0xea: {  	v2 =	vmul.f32 v2, v4;
	_ =	sdelay $0x1  }
0xeb: {  	v2 =	vadd.f32 v2, v57;
	_ =	sdelay $0x1  }
0xec: {  	v3 =	vmin.f32 v2, $0.0e+00  }
0xed: {  	v3 =	vmul.f32 $2.000000030e-01, v3  }
0xee: {  	v2 =	vmax.f32 v2, $0.0e+00  }
0xef: {  	v2 =	vadd.f32 v3, v2;
	_ =	sdelay $0x1  }
0xf0: {  	[tilespmem:v1+s25+$0xFFFFFFD0 ss:$0x1] =	vst.idx.msk $0xffff, v2  }
0xf1: {  	v2 =	vld.idx.msk [tilespmem:v1+s25+$0xFFFFFFE0 ss:$0x1], $0xffff  }
0xf2: {  	v3 =	vld [tilespmem:s25+$0x3020];
	_ =	sdelay $0x3  }
0xf3: {  	v58 =	vld [tilespmem:$0x56A0]  }
0xf4: {  	v2 =	vadd.f32 v3, v2;
	_ =	sdelay $0x1  }
0xf5: {  	v2 =	vmul.f32 v2, v4;
	_ =	sdelay $0x1  }
0xf6: {  	v2 =	vadd.f32 v2, v58;
	_ =	sdelay $0x1  }
0xf7: {  	v3 =	vmin.f32 v2, $0.0e+00  }
0xf8: {  	v3 =	vmul.f32 $2.000000030e-01, v3  }
0xf9: {  	v2 =	vmax.f32 v2, $0.0e+00  }
0xfa: {  	v2 =	vadd.f32 v3, v2;
	_ =	sdelay $0x1  }
0xfb: {  	[tilespmem:v1+s25+$0xFFFFFFE0 ss:$0x1] =	vst.idx.msk $0xffff, v2  }
0xfc: {  	v2 =	vld.idx.msk [tilespmem:v1+s25+$0xFFFFFFF0 ss:$0x1], $0xffff  }
0xfd: {  	v3 =	vld [tilespmem:s25+$0x3030];
	_ =	sdelay $0x3  }
0xfe: {  	v59 =	vld [tilespmem:$0x56B0]  }
0xff: {  	v2 =	vadd.f32 v3, v2;
	_ =	sdelay $0x1  }
0x100: {  	v2 =	vmul.f32 v2, v4;
	_ =	sdelay $0x1  }
0x101: {  	v2 =	vadd.f32 v2, v59;
	_ =	sdelay $0x1  }
0x102: {  	v3 =	vmin.f32 v2, $0.0e+00  }
0x103: {  	v3 =	vmul.f32 $2.000000030e-01, v3  }
0x104: {  	v2 =	vmax.f32 v2, $0.0e+00  }
0x105: {  	v2 =	vadd.f32 v3, v2;
	_ =	sdelay $0x1  }
0x106: {  	[tilespmem:v1+s25+$0xFFFFFFF0 ss:$0x1] =	vst.idx.msk $0xffff, v2  }
0x107: {  	v2 =	vld.idx.msk [tilespmem:v1+s25+$0x0 ss:$0x1], $0xffff  }
0x108: {  	v3 =	vld [tilespmem:s25+$0x3040];
	_ =	sdelay $0x3  }
0x109: {  	v60 =	vld [tilespmem:$0x56C0]  }
0x10a: {  	v2 =	vadd.f32 v3, v2;
	_ =	sdelay $0x1  }
0x10b: {  	v2 =	vmul.f32 v2, v4;
	_ =	sdelay $0x1  }
0x10c: {  	v2 =	vadd.f32 v2, v60;
	_ =	sdelay $0x1  }
0x10d: {  	v3 =	vmin.f32 v2, $0.0e+00  }
0x10e: {  	v3 =	vmul.f32 $2.000000030e-01, v3  }
0x10f: {  	v2 =	vmax.f32 v2, $0.0e+00  }
0x110: {  	v2 =	vadd.f32 v3, v2;
	_ =	sdelay $0x1  }
0x111: {  	[tilespmem:v1+s25+$0x0 ss:$0x1] =	vst.idx.msk $0xffff, v2  }
0x112: {  	v2 =	vld.idx.msk [tilespmem:v1+s25+$0x10 ss:$0x1], $0xffff  }
0x113: {  	v3 =	vld [tilespmem:s25+$0x3050];
	_ =	sdelay $0x3  }
0x114: {  	v61 =	vld [tilespmem:$0x56D0]  }
0x115: {  	v2 =	vadd.f32 v3, v2;
	_ =	sdelay $0x1  }
0x116: {  	v2 =	vmul.f32 v2, v4;
	_ =	sdelay $0x1  }
0x117: {  	v2 =	vadd.f32 v2, v61;
	_ =	sdelay $0x1  }
0x118: {  	v3 =	vmin.f32 v2, $0.0e+00  }
0x119: {  	v3 =	vmul.f32 $2.000000030e-01, v3  }
0x11a: {  	v2 =	vmax.f32 v2, $0.0e+00  }
0x11b: {  	v2 =	vadd.f32 v3, v2;
	_ =	sdelay $0x1  }
0x11c: {  	[tilespmem:v1+s25+$0x10 ss:$0x1] =	vst.idx.msk $0xffff, v2  }
0x11d: {  	v2 =	vld.idx.msk [tilespmem:v1+s25+$0x20 ss:$0x1], $0xffff  }
0x11e: {  	v3 =	vld [tilespmem:s25+$0x3060];
	_ =	sdelay $0x3  }
0x11f: {  	v62 =	vld [tilespmem:$0x56E0]  }
0x120: {  	v2 =	vadd.f32 v3, v2;
	_ =	sdelay $0x1  }
0x121: {  	v2 =	vmul.f32 v2, v4;
	_ =	sdelay $0x1  }
0x122: {  	v2 =	vadd.f32 v2, v62;
	_ =	sdelay $0x1  }
0x123: {  	v3 =	vmin.f32 v2, $0.0e+00  }
0x124: {  	v3 =	vmul.f32 $2.000000030e-01, v3  }
0x125: {  	v2 =	vmax.f32 v2, $0.0e+00  }
0x126: {  	v2 =	vadd.f32 v3, v2;
	_ =	sdelay $0x1  }
0x127: {  	[tilespmem:v1+s25+$0x20 ss:$0x1] =	vst.idx.msk $0xffff, v2  }
0x128: {  	v2 =	vld.idx.msk [tilespmem:v1+s25+$0x30 ss:$0x1], $0xffff  }
0x129: {  	v3 =	vld [tilespmem:s25+$0x3070];
	_ =	sdelay $0x3  }
0x12a: {  	v63 =	vld [tilespmem:$0x56F0]  }
0x12b: {  	v2 =	vadd.f32 v3, v2;
	_ =	sdelay $0x1  }
0x12c: {  	v2 =	vmul.f32 v2, v4;
	_ =	sdelay $0x1  }
0x12d: {  	v2 =	vadd.f32 v2, v63;
	_ =	sdelay $0x1  }
0x12e: {  	v3 =	vmin.f32 v2, $0.0e+00  }
0x12f: {  	v3 =	vmul.f32 $2.000000030e-01, v3  }
0x130: {  	v2 =	vmax.f32 v2, $0.0e+00  }
0x131: {  	s28 =	simm.s32 $0x200;
	s1 =	simm.s32 $0x400;
	s26 =	smov.u32 s22;
	v2 =	vadd.f32 v3, v2  }
.LBB2_24:
0x132: {  	s26 =	sadd.s32 $0x1, s26  }
0x133: {  	s29 =	sadd.s32 $0x200, s1;
	[tilespmem:v1+s25+$0x30 ss:$0x1] =	vst.idx.msk $0xffff, v2;
	s25 =	sshra.s32 s28, $0x2;
	s28 =	smov.u32 s1  }
0x134: {  	p0 =	sne.s32 s1, $0x7E00;
	v3 =	vld.idx.msk [tilespmem:v1+s25+$0xFFFFFFC0 ss:$0x1], $0xffff  }
0x135: {  	v4 =	vld [tilespmem:s25+$0x3000]  }
0x136: {  	v2 =	vld.msk [tilespmem:s26+$0x0 ss:$0x0], $0xffff;
	_ =	sdelay $0x2  }
0x137: {  	v5 =	vld [tilespmem:$0x5680]  }
0x138: {  	v3 =	vadd.f32 v4, v3;
	_ =	sdelay $0x1  }
0x139: {  	v3 =	vmul.f32 v3, v2;
	_ =	sdelay $0x1  }
0x13a: {  	v3 =	vadd.f32 v3, v5;
	_ =	sdelay $0x1  }
0x13b: {  	v4 =	vmin.f32 v3, $0.0e+00  }
0x13c: {  	v4 =	vmul.f32 $2.000000030e-01, v4  }
0x13d: {  	v3 =	vmax.f32 v3, $0.0e+00  }
0x13e: {  	v3 =	vadd.f32 v4, v3;
	_ =	sdelay $0x1  }
0x13f: {  	[tilespmem:v1+s25+$0xFFFFFFC0 ss:$0x1] =	vst.idx.msk $0xffff, v3  }
0x140: {  	v3 =	vld.idx.msk [tilespmem:v1+s25+$0xFFFFFFD0 ss:$0x1], $0xffff  }
0x141: {  	v4 =	vld [tilespmem:s25+$0x3010];
	_ =	sdelay $0x3  }
0x142: {  	v5 =	vld [tilespmem:$0x5690]  }
0x143: {  	v3 =	vadd.f32 v4, v3;
	_ =	sdelay $0x1  }
0x144: {  	v3 =	vmul.f32 v3, v2;
	_ =	sdelay $0x1  }
0x145: {  	v3 =	vadd.f32 v3, v5;
	_ =	sdelay $0x1  }
0x146: {  	v4 =	vmin.f32 v3, $0.0e+00  }
0x147: {  	v4 =	vmul.f32 $2.000000030e-01, v4  }
0x148: {  	v3 =	vmax.f32 v3, $0.0e+00  }
0x149: {  	v3 =	vadd.f32 v4, v3;
	_ =	sdelay $0x1  }
0x14a: {  	[tilespmem:v1+s25+$0xFFFFFFD0 ss:$0x1] =	vst.idx.msk $0xffff, v3  }
0x14b: {  	v3 =	vld.idx.msk [tilespmem:v1+s25+$0xFFFFFFE0 ss:$0x1], $0xffff  }
0x14c: {  	v4 =	vld [tilespmem:s25+$0x3020];
	_ =	sdelay $0x3  }
0x14d: {  	v5 =	vld [tilespmem:$0x56A0]  }
0x14e: {  	v3 =	vadd.f32 v4, v3;
	_ =	sdelay $0x1  }
0x14f: {  	v3 =	vmul.f32 v3, v2;
	_ =	sdelay $0x1  }
0x150: {  	v3 =	vadd.f32 v3, v5;
	_ =	sdelay $0x1  }
0x151: {  	v4 =	vmin.f32 v3, $0.0e+00  }
0x152: {  	v4 =	vmul.f32 $2.000000030e-01, v4  }
0x153: {  	v3 =	vmax.f32 v3, $0.0e+00  }
0x154: {  	v3 =	vadd.f32 v4, v3;
	_ =	sdelay $0x1  }
0x155: {  	[tilespmem:v1+s25+$0xFFFFFFE0 ss:$0x1] =	vst.idx.msk $0xffff, v3  }
0x156: {  	v3 =	vld.idx.msk [tilespmem:v1+s25+$0xFFFFFFF0 ss:$0x1], $0xffff  }
0x157: {  	v4 =	vld [tilespmem:s25+$0x3030];
	_ =	sdelay $0x3  }
0x158: {  	v5 =	vld [tilespmem:$0x56B0]  }
0x159: {  	v3 =	vadd.f32 v4, v3;
	_ =	sdelay $0x1  }
0x15a: {  	v3 =	vmul.f32 v3, v2;
	_ =	sdelay $0x1  }
0x15b: {  	v3 =	vadd.f32 v3, v5;
	_ =	sdelay $0x1  }
0x15c: {  	v4 =	vmin.f32 v3, $0.0e+00  }
0x15d: {  	v4 =	vmul.f32 $2.000000030e-01, v4  }
0x15e: {  	v3 =	vmax.f32 v3, $0.0e+00  }
0x15f: {  	v3 =	vadd.f32 v4, v3;
	_ =	sdelay $0x1  }
0x160: {  	[tilespmem:v1+s25+$0xFFFFFFF0 ss:$0x1] =	vst.idx.msk $0xffff, v3  }
0x161: {  	v3 =	vld.idx.msk [tilespmem:v1+s25+$0x0 ss:$0x1], $0xffff  }
0x162: {  	v4 =	vld [tilespmem:s25+$0x3040];
	_ =	sdelay $0x3  }
0x163: {  	v5 =	vld [tilespmem:$0x56C0]  }
0x164: {  	v3 =	vadd.f32 v4, v3;
	_ =	sdelay $0x1  }
0x165: {  	v3 =	vmul.f32 v3, v2;
	_ =	sdelay $0x1  }
0x166: {  	v3 =	vadd.f32 v3, v5;
	_ =	sdelay $0x1  }
0x167: {  	v4 =	vmin.f32 v3, $0.0e+00  }
0x168: {  	v4 =	vmul.f32 $2.000000030e-01, v4  }
0x169: {  	v3 =	vmax.f32 v3, $0.0e+00  }
0x16a: {  	v3 =	vadd.f32 v4, v3;
	_ =	sdelay $0x1  }
0x16b: {  	[tilespmem:v1+s25+$0x0 ss:$0x1] =	vst.idx.msk $0xffff, v3  }
0x16c: {  	v3 =	vld.idx.msk [tilespmem:v1+s25+$0x10 ss:$0x1], $0xffff  }
0x16d: {  	v4 =	vld [tilespmem:s25+$0x3050]  }
0x16e: {  	v5 =	vld [tilespmem:$0x56D0];
	_ =	sdelay $0x3  }
0x16f: {  	v3 =	vadd.f32 v4, v3;
	_ =	sdelay $0x1  }
0x170: {  	v3 =	vmul.f32 v3, v2;
	_ =	sdelay $0x1  }
0x171: {  	v3 =	vadd.f32 v3, v5;
	_ =	sdelay $0x1  }
0x172: {  	v4 =	vmin.f32 v3, $0.0e+00  }
0x173: {  	v4 =	vmul.f32 $2.000000030e-01, v4  }
0x174: {  	v3 =	vmax.f32 v3, $0.0e+00  }
0x175: {  	v3 =	vadd.f32 v4, v3;
	_ =	sdelay $0x1  }
0x176: {  	[tilespmem:v1+s25+$0x10 ss:$0x1] =	vst.idx.msk $0xffff, v3  }
0x177: {  	v3 =	vld.idx.msk [tilespmem:v1+s25+$0x20 ss:$0x1], $0xffff  }
0x178: {  	v4 =	vld [tilespmem:s25+$0x3060]  }
0x179: {  	v5 =	vld [tilespmem:$0x56E0];
	_ =	sdelay $0x3  }
0x17a: {  	v3 =	vadd.f32 v4, v3;
	_ =	sdelay $0x1  }
0x17b: {  	v3 =	vmul.f32 v3, v2;
	_ =	sdelay $0x1  }
0x17c: {  	v3 =	vadd.f32 v3, v5;
	_ =	sdelay $0x1  }
0x17d: {  	v4 =	vmin.f32 v3, $0.0e+00  }
0x17e: {  	v4 =	vmul.f32 $2.000000030e-01, v4  }
0x17f: {  	v3 =	vmax.f32 v3, $0.0e+00  }
0x180: {  	v3 =	vadd.f32 v4, v3;
	_ =	sdelay $0x1  }
0x181: {  	[tilespmem:v1+s25+$0x20 ss:$0x1] =	vst.idx.msk $0xffff, v3  }
0x182: {  	v3 =	vld.idx.msk [tilespmem:v1+s25+$0x30 ss:$0x1], $0xffff  }
0x183: {  	v4 =	vld [tilespmem:s25+$0x3070]  }
0x184: {  	v5 =	vld [tilespmem:$0x56F0];
	_ =	sdelay $0x3  }
0x185: {  	v3 =	vadd.f32 v4, v3;
	_ =	sdelay $0x1  }
0x186: {  	v2 =	vmul.f32 v3, v2;
	_ =	sdelay $0x1  }
0x187: {  	v2 =	vadd.f32 v2, v5  }
.Ltmp18:
0x188: {  	(pc) =	sbr.rel @p0 .LBB2_24-.Ltmp18, $4  }
0x189: {  	v3 =	vmin.f32 v2, $0.0e+00  }
0x18a: {  	v3 =	vmul.f32 $2.000000030e-01, v3  }
0x18b: {  	v2 =	vmax.f32 v2, $0.0e+00  }
0x18c: {  	s1 =	smov.u32 s29;
	v2 =	vadd.f32 v3, v2  }
0x18d: {  	_ =	sdelay $0x3  }
0x18e: {  	s1 =	sshra.s32 s28, $0x2;
	[tilespmem:v1+s25+$0x30 ss:$0x1] =	vst.idx.msk $0xffff, v2  }
0x18f: {  	v2 =	vld.idx.msk [tilespmem:v1+s1+$0xFFFFFFC0 ss:$0x1], $0xffff  }
0x190: {  	v3 =	vld [tilespmem:s1+$0x3000]  }
0x191: {  	s0 =	sadd.s32 $0x1, s26  }
0x192: {  	v4 =	vld.msk [tilespmem:s0+$0x0 ss:$0x0], $0xffff;
	_ =	sdelay $0x1  }
0x193: {  	v5 =	vld [tilespmem:$0x5680]  }
0x194: {  	v2 =	vadd.f32 v3, v2;
	_ =	sdelay $0x1  }
0x195: {  	v2 =	vmul.f32 v2, v4;
	_ =	sdelay $0x1  }
0x196: {  	v2 =	vadd.f32 v2, v5;
	_ =	sdelay $0x1  }
0x197: {  	v3 =	vmin.f32 v2, $0.0e+00  }
0x198: {  	v3 =	vmul.f32 $2.000000030e-01, v3  }
0x199: {  	v2 =	vmax.f32 v2, $0.0e+00  }
0x19a: {  	v2 =	vadd.f32 v3, v2;
	_ =	sdelay $0x1  }
0x19b: {  	[tilespmem:v1+s1+$0xFFFFFFC0 ss:$0x1] =	vst.idx.msk $0xffff, v2  }
0x19c: {  	v2 =	vld.idx.msk [tilespmem:v1+s1+$0xFFFFFFD0 ss:$0x1], $0xffff  }
0x19d: {  	v3 =	vld [tilespmem:s1+$0x3010];
	_ =	sdelay $0x3  }
0x19e: {  	v57 =	vld [tilespmem:$0x5690]  }
0x19f: {  	v2 =	vadd.f32 v3, v2;
	_ =	sdelay $0x1  }
0x1a0: {  	v2 =	vmul.f32 v2, v4;
	_ =	sdelay $0x1  }
0x1a1: {  	v2 =	vadd.f32 v2, v57;
	_ =	sdelay $0x1  }
0x1a2: {  	v3 =	vmin.f32 v2, $0.0e+00  }
0x1a3: {  	v3 =	vmul.f32 $2.000000030e-01, v3  }
0x1a4: {  	v2 =	vmax.f32 v2, $0.0e+00  }
0x1a5: {  	v2 =	vadd.f32 v3, v2;
	_ =	sdelay $0x1  }
0x1a6: {  	[tilespmem:v1+s1+$0xFFFFFFD0 ss:$0x1] =	vst.idx.msk $0xffff, v2  }
0x1a7: {  	v2 =	vld.idx.msk [tilespmem:v1+s1+$0xFFFFFFE0 ss:$0x1], $0xffff  }
0x1a8: {  	v3 =	vld [tilespmem:s1+$0x3020];
	_ =	sdelay $0x3  }
0x1a9: {  	v58 =	vld [tilespmem:$0x56A0]  }
0x1aa: {  	v2 =	vadd.f32 v3, v2;
	_ =	sdelay $0x1  }
0x1ab: {  	v2 =	vmul.f32 v2, v4;
	_ =	sdelay $0x1  }
0x1ac: {  	v2 =	vadd.f32 v2, v58;
	_ =	sdelay $0x1  }
0x1ad: {  	v3 =	vmin.f32 v2, $0.0e+00  }
0x1ae: {  	v3 =	vmul.f32 $2.000000030e-01, v3  }
0x1af: {  	v2 =	vmax.f32 v2, $0.0e+00  }
0x1b0: {  	v2 =	vadd.f32 v3, v2;
	_ =	sdelay $0x1  }
0x1b1: {  	[tilespmem:v1+s1+$0xFFFFFFE0 ss:$0x1] =	vst.idx.msk $0xffff, v2  }
0x1b2: {  	v2 =	vld.idx.msk [tilespmem:v1+s1+$0xFFFFFFF0 ss:$0x1], $0xffff  }
0x1b3: {  	v3 =	vld [tilespmem:s1+$0x3030];
	_ =	sdelay $0x3  }
0x1b4: {  	v59 =	vld [tilespmem:$0x56B0]  }
0x1b5: {  	v2 =	vadd.f32 v3, v2;
	_ =	sdelay $0x1  }
0x1b6: {  	v2 =	vmul.f32 v2, v4;
	_ =	sdelay $0x1  }
0x1b7: {  	v2 =	vadd.f32 v2, v59;
	_ =	sdelay $0x1  }
0x1b8: {  	v3 =	vmin.f32 v2, $0.0e+00  }
0x1b9: {  	v3 =	vmul.f32 $2.000000030e-01, v3  }
0x1ba: {  	v2 =	vmax.f32 v2, $0.0e+00  }
0x1bb: {  	v2 =	vadd.f32 v3, v2;
	_ =	sdelay $0x1  }
0x1bc: {  	[tilespmem:v1+s1+$0xFFFFFFF0 ss:$0x1] =	vst.idx.msk $0xffff, v2  }
0x1bd: {  	v2 =	vld.idx.msk [tilespmem:v1+s1+$0x0 ss:$0x1], $0xffff  }
0x1be: {  	v3 =	vld [tilespmem:s1+$0x3040];
	_ =	sdelay $0x3  }
0x1bf: {  	v60 =	vld [tilespmem:$0x56C0]  }
0x1c0: {  	v2 =	vadd.f32 v3, v2;
	_ =	sdelay $0x1  }
0x1c1: {  	v2 =	vmul.f32 v2, v4;
	_ =	sdelay $0x1  }
0x1c2: {  	v2 =	vadd.f32 v2, v60;
	_ =	sdelay $0x1  }
0x1c3: {  	v3 =	vmin.f32 v2, $0.0e+00  }
0x1c4: {  	v3 =	vmul.f32 $2.000000030e-01, v3  }
0x1c5: {  	v2 =	vmax.f32 v2, $0.0e+00  }
0x1c6: {  	v2 =	vadd.f32 v3, v2;
	_ =	sdelay $0x1  }
0x1c7: {  	[tilespmem:v1+s1+$0x0 ss:$0x1] =	vst.idx.msk $0xffff, v2  }
0x1c8: {  	v2 =	vld.idx.msk [tilespmem:v1+s1+$0x10 ss:$0x1], $0xffff  }
0x1c9: {  	v3 =	vld [tilespmem:s1+$0x3050];
	_ =	sdelay $0x3  }
0x1ca: {  	v61 =	vld [tilespmem:$0x56D0]  }
0x1cb: {  	v2 =	vadd.f32 v3, v2;
	_ =	sdelay $0x1  }
0x1cc: {  	v2 =	vmul.f32 v2, v4;
	_ =	sdelay $0x1  }
0x1cd: {  	v2 =	vadd.f32 v2, v61;
	_ =	sdelay $0x1  }
0x1ce: {  	v3 =	vmin.f32 v2, $0.0e+00  }
0x1cf: {  	v3 =	vmul.f32 $2.000000030e-01, v3  }
0x1d0: {  	v2 =	vmax.f32 v2, $0.0e+00  }
0x1d1: {  	v2 =	vadd.f32 v3, v2;
	_ =	sdelay $0x1  }
0x1d2: {  	[tilespmem:v1+s1+$0x10 ss:$0x1] =	vst.idx.msk $0xffff, v2  }
0x1d3: {  	v2 =	vld.idx.msk [tilespmem:v1+s1+$0x20 ss:$0x1], $0xffff  }
0x1d4: {  	v3 =	vld [tilespmem:s1+$0x3060];
	_ =	sdelay $0x3  }
0x1d5: {  	v62 =	vld [tilespmem:$0x56E0]  }
0x1d6: {  	v2 =	vadd.f32 v3, v2;
	_ =	sdelay $0x1  }
0x1d7: {  	v2 =	vmul.f32 v2, v4;
	_ =	sdelay $0x1  }
0x1d8: {  	v2 =	vadd.f32 v2, v62;
	_ =	sdelay $0x1  }
0x1d9: {  	v3 =	vmin.f32 v2, $0.0e+00  }
0x1da: {  	v3 =	vmul.f32 $2.000000030e-01, v3  }
0x1db: {  	v2 =	vmax.f32 v2, $0.0e+00  }
0x1dc: {  	v2 =	vadd.f32 v3, v2;
	_ =	sdelay $0x1  }
0x1dd: {  	[tilespmem:v1+s1+$0x20 ss:$0x1] =	vst.idx.msk $0xffff, v2  }
0x1de: {  	v2 =	vld.idx.msk [tilespmem:v1+s1+$0x30 ss:$0x1], $0xffff  }
0x1df: {  	v3 =	vld [tilespmem:s1+$0x3070];
	_ =	sdelay $0x3  }
0x1e0: {  	v63 =	vld [tilespmem:$0x56F0]  }
0x1e1: {  	v2 =	vadd.f32 v3, v2;
	_ =	sdelay $0x1  }
0x1e2: {  	v2 =	vmul.f32 v2, v4;
	_ =	sdelay $0x1  }
0x1e3: {  	v2 =	vadd.f32 v2, v63  }
0x1e4: {  	s24 =	sadd.s32 $0x1, s24  }
0x1e5: {  	p0 =	sne.s32 s24, $0x5;
	v3 =	vmin.f32 v2, $0.0e+00  }
.Ltmp19:
0x1e6: {  	v3 =	vmul.f32 $2.000000030e-01, v3;
	(pc) =	sbr.rel @p0 .LBB2_23-.Ltmp19, $3  }
0x1e7: {  	v2 =	vmax.f32 v2, $0.0e+00  }
0x1e8: {  	v2 =	vadd.f32 v3, v2;
	_ =	sdelay $0x1  }
0x1e9: {  	s22 =	sadd.s32 $0x40, s22;
	s23 =	sadd.s32 $0x2000, s23;
	[tilespmem:v1+s1+$0x30 ss:$0x1] =	vst.idx.msk $0xffff, v2  }
0x1ea: {  	s20 =	sadd.s32 $0x1, s20  }
0x1eb: {  	p0 =	sne.s32 s20, s11  }
.Ltmp20:
0x1ec: {  	_ = 	snop;
	(pc) =	sbr.rel @p0 .LBB2_1-.Ltmp20, $4  }
0x1ed: {  	[hbm4b:s10+s3] =	stream.linear.scatter [tilespmem:s19], [sflag:$0x2], $0xA000, $0x38;
	[tilespmem:$0xF700] =	vst v63  }
0x1ee: {  	_ =	swait.ge [sflag:s13], $0xA000  }
0x1ef: {  	[sflag:s13] =	ssyncset.done $0x0  }
0x1f0: {  	[sflag:s13] =	ssyncadd.s32 $0xFFFF6000  }
0x1f1: {  	_ =	sfence.sel $0x180000  }
0x1f2: {  	[bflag:$0x0] =	sbarrier.arrive $0xFFFF  }
0x1f3: {  	_ =	strace $0x9000004A  }
0x1f4: {  	s0 =	stileid.u32;
	[bflag:$0x2] =	sbarrier.arrive $0xFFFF  }
0x1f5: {  	p0 =	sne.s32 s0, $0x0;
	s0 =	rddreg [dreg:$0x2]  }
0x1f6: {  	s0 =	sadd.s32 @!p0 $0x100000, s0  }
0x1f7: {  	[sflag:s0] =	ssyncadd.tile.s32 @!p0 $0x1;
	_ =	shalt  }
.Lfunc_end2:
_tile_overlayer_lowered:
.L_overlay_start_2:
0x1f8: {  	(tag) =	ssettag $0x2  }
0x1f9: {  	s0 =	rddreg [dreg:$0x0];
	s2 =	stileid.u32  }
0x1fa: {  	s1 =	rddreg [dreg:$0x1];
	p0 =	sne.s32 s2, $0x0  }
0x1fb: {  	s3 =	rddreg [dreg:$0x2];
	[bflag:$0x3] =	sbarrier.arrive $0xFFFF;
	s2 =	simm.s32 @!p0 $0x1C02  }
0x1fc: {  	[timem:s3], [sflag:s2] =	dma.local @!p0 [hbm:s0], s1  }
0x1fd: {  	s0 =	simm.s32 @!p0 $0x2  }
0x1fe: {  	_ =	swait.ge @!p0 [sflag:s0], s1  }
0x1ff: {  	s1 =	ssub.s32 @!p0 $0x0, s1;
	[sflag:s0] =	ssyncset.done @!p0 $0x0  }
0x200: {  	[sflag:s0] =	ssyncadd.s32 @!p0 s1  }
0x201: {  	[bflag:$0x3] =	sbarrier.arrive $0xFFFF  }
0x202: {  	_ =	shalt  }

</sc_bundles>
